<compile_context>
chip_gen: v7x
topology: tpu7x:2x2x1
jax: 0.10.2.dev20260603
libtpu: 0.0.44.dev20260713+nightly
codegen_flags: <defaults>
</compile_context>

<pallas_src>
import functools

import jax
import jax.numpy as jnp
from jax import lax
from jax.experimental import pallas as pl
from jax.experimental.pallas import tpu as pltpu
from jax.experimental.pallas import tpu_sc as plsc

NC = 2
NS = 16
NW = NC * NS
C = 128
DW = 16

f32 = jnp.float32


def _ceil_to(x, m):
    return (x + m - 1) // m * m


def kernel(features, edge_index, W1, W2):
    N, D = features.shape
    E = edge_index.shape[1]
    RT = _ceil_to(_ceil_to(N, NS) // NS, C)
    NPAD = NS * RT
    per_w = _ceil_to(_ceil_to(E, NW) // NW, C)
    EPAD = per_w * NW

    xp = jnp.pad(features, ((0, NPAD - N), (0, 0)))
    src = edge_index[0]
    dst = edge_index[1]
    pad_idx = jnp.full((EPAD - E,), NPAD - 1, jnp.int32)
    srcp = jnp.concatenate([src, pad_idx])
    dstp = jnp.concatenate([dst, pad_idx])

    mesh = plsc.VectorSubcoreMesh(core_axis_name="c", subcore_axis_name="s")

    @functools.partial(
        pl.kernel,
        out_type=[jax.ShapeDtypeStruct((NPAD, D), f32)] * 2,
        mesh=mesh,
        scratch_types=[
            pltpu.VMEM((C,), jnp.int32),
            pltpu.VMEM((1, C), jnp.int32),
            pltpu.VMEM((C, D), f32),
            pltpu.VMEM_SHARED((NPAD, D), f32),
        ],
    )
    def agg_kernel(hn_hbm, src_hbm, dst_hbm, zrow_hbm, a0_hbm, a1_hbm, sidx,
                   didx, rows, shared):
        if True:
            c = lax.axis_index("c")
            s = lax.axis_index("s")
            gw = c * NS + s

            pltpu.sync_copy(zrow_hbm, rows)

            @pl.loop(0, RT // C)
            def _(j):
                pltpu.sync_copy(rows, shared.at[pl.ds(s * RT + j * C, C)])

            plsc.subcore_barrier()

            @pl.loop(0, per_w // C)
            def _(k):
                base = gw * per_w + k * C
                pltpu.sync_copy(src_hbm.at[pl.ds(base, C)], sidx)
                pltpu.sync_copy(dst_hbm.at[pl.ds(base, C)], didx.at[0])
                pltpu.sync_copy(hn_hbm.at[sidx], rows)
                pltpu.sync_copy(rows, shared.at[didx.at[0]], add=True)

            plsc.subcore_barrier()

            @pl.when(c == 0)
            def _():
                pltpu.sync_copy(shared.at[pl.ds(s * RT, RT)],
                                a0_hbm.at[pl.ds(s * RT, RT)])

            @pl.when(c == 1)
            def _():
                pltpu.sync_copy(shared.at[pl.ds(s * RT, RT)],
                                a1_hbm.at[pl.ds(s * RT, RT)])

    @functools.partial(
        pl.kernel,
        out_type=[jax.ShapeDtypeStruct((NPAD, D), f32)] * 2,
        mesh=mesh,
        scratch_types=[
            pltpu.VMEM((1, C), jnp.int32),
            pltpu.VMEM((C, D), f32),
            pltpu.VMEM_SHARED((NPAD, D), f32),
        ],
    )
    def deg_kernel(dst_hbm, zrow_hbm, ones_hbm, d0_hbm, d1_hbm, didx, rows,
                   shared):
        c = lax.axis_index("c")
        s = lax.axis_index("s")
        gw = c * NS + s

        pltpu.sync_copy(zrow_hbm, rows)

        @pl.loop(0, RT // C)
        def _(j):
            pltpu.sync_copy(rows, shared.at[pl.ds(s * RT + j * C, C)])

        plsc.subcore_barrier()

        pltpu.sync_copy(ones_hbm, rows)

        @pl.loop(0, per_w // C)
        def _(k):
            base = gw * per_w + k * C
            pltpu.sync_copy(dst_hbm.at[pl.ds(base, C)], didx.at[0])
            pltpu.sync_copy(rows, shared.at[didx.at[0]], add=True)

        plsc.subcore_barrier()

        @pl.when(c == 0)
        def _():
            pltpu.sync_copy(shared.at[pl.ds(s * RT, RT)],
                            d0_hbm.at[pl.ds(s * RT, RT)])

        @pl.when(c == 1)
        def _():
            pltpu.sync_copy(shared.at[pl.ds(s * RT, RT)],
                            d1_hbm.at[pl.ds(s * RT, RT)])

    def mm_scale_body(x_ref, w_ref, d0_ref, d1_ref, h_ref, hn_ref, dsum_ref):
        h = jnp.dot(x_ref[...], w_ref[...], preferred_element_type=f32)
        h_ref[...] = h
        deg = d0_ref[:, :1] + d1_ref[:, :1]
        dsum_ref[...] = deg
        norm = lax.rsqrt(jnp.maximum(deg, 1.0))
        hn_ref[...] = h * norm

    def layer2_body(dsum_ref, h_ref, a0_ref, a1_ref, w_ref, h2_ref, hn2_ref):
        deg = dsum_ref[...]
        agg = a0_ref[...] + a1_ref[...]
        h1 = jnp.where(deg > 0.0, jnp.maximum(agg, 0.0), h_ref[...])
        x1 = jnp.maximum(h1, 0.0)
        h2 = jnp.dot(x1, w_ref[...], preferred_element_type=f32)
        h2_ref[...] = h2
        hn2_ref[...] = h2 * lax.rsqrt(jnp.maximum(deg, 1.0))

    def final_body(dsum_ref, h2_ref, a0_ref, a1_ref, o_ref):
        deg = dsum_ref[...]
        agg = a0_ref[...] + a1_ref[...]
        o_ref[...] = jnp.where(deg > 0.0, jnp.maximum(agg, 0.0), h2_ref[...])

    zrowD = jnp.zeros((C, D), f32)
    orowD = jnp.ones((C, D), f32)
    deg0, deg1 = deg_kernel(dstp, zrowD, orowD)

    h, hn, dsum = pl.pallas_call(
        mm_scale_body,
        out_shape=[
            jax.ShapeDtypeStruct((NPAD, D), f32),
            jax.ShapeDtypeStruct((NPAD, D), f32),
            jax.ShapeDtypeStruct((NPAD, 1), f32),
        ],
    )(xp, W1, deg0, deg1)

    agg0, agg1 = agg_kernel(hn, srcp, dstp, zrowD)

    h2, hn2 = pl.pallas_call(
        layer2_body,
        out_shape=[
            jax.ShapeDtypeStruct((NPAD, D), f32),
            jax.ShapeDtypeStruct((NPAD, D), f32),
        ],
    )(dsum, h, agg0, agg1, W2)

    b0, b1 = agg_kernel(hn2, srcp, dstp, zrowD)

    out = pl.pallas_call(
        final_body,
        out_shape=jax.ShapeDtypeStruct((NPAD, D), f32),
    )(dsum, h2, b0, b1)

    return out[:N]

# --- scband reference (transcript-rebuilt; emitter-appended) ---
"""Pipeline reference for scband-gcn-18202071400723 (READ-ONLY COPY).

The authoritative reference and input builder live on the scoring server;
editing this copy changes nothing except your own understanding.
"""

import jax, jax.numpy as jnp
import numpy as np

N = 10000
E = 320000
D_IN = 128
D_HID = 128
D_OUT = 128


def setup_inputs(seed: int = 0) -> dict:
    key = jax.random.key(seed)
    k1, k2, k3, k4 = jax.random.split(key, 4)
    x = jax.random.normal(k1, (N, D_IN), dtype=jnp.float32)
    edge_index = jax.random.randint(k2, (2, E), 0, N, dtype=jnp.int32)
    # GCNLayer weights initialized with torch.rand -> uniform [0,1)
    W1 = jax.random.uniform(k3, (D_IN, D_HID), dtype=jnp.float32)
    # layer2 = GCNLayer(out_dim, hidden_dim) with out_dim == hidden_dim == 128
    W2 = jax.random.uniform(k4, (D_HID, D_OUT), dtype=jnp.float32)
    return {"features": x, "edge_index": edge_index, "W1": W1, "W2": W2}


def _gcn_forward(x, W1, W2, edge_index):
    src = edge_index[0]
    dst = edge_index[1]
    n = x.shape[0]
    # g.ndata['degree'] = g.in_degrees().float().clamp(min=1).unsqueeze(1)
    deg_count = jnp.zeros((n,), dtype=jnp.float32).at[dst].add(1.0)
    degree = jnp.clip(deg_count, 1.0)[:, None]
    norm = jnp.power(degree, -0.5)  # per-node src norm, gathered per-edge below
    has_in = (deg_count > 0)[:, None]

    # ---- layer1 ----
    h = x @ W1
    m = h[src] * norm[src]  # message_func: edges.src['h'] * edges.src['degree']**-0.5
    agg = jax.ops.segment_sum(m, dst, num_segments=n)
    h1 = jnp.where(has_in, jax.nn.relu(agg), h)  # reduce: relu(sum); isolated nodes keep mm result
    x1 = jax.nn.relu(h1)  # F.relu in GCN.forward

    # ---- layer2 ----
    h2 = x1 @ W2
    m2 = h2[src] * norm[src]
    agg2 = jax.ops.segment_sum(m2, dst, num_segments=n)
    out = jnp.where(has_in, jax.nn.relu(agg2), h2)
    return out


def reference(features, edge_index, W1, W2):
    return _gcn_forward(features, W1, W2, edge_index)

if __name__ == "__main__":
    import jax
    _d = setup_inputs()
    print(jax.jit(kernel)(*tuple(_d.values())))

</pallas_src>

<mosaic_0001>
#map = affine_map<(d0, d1) -> (0)>
#map1 = affine_map<(d0, d1) -> (0, 0)>
module attributes {stable_mosaic.version = 14 : i64} {
  func.func @deg_kernel(%arg0: i32, %arg1: i32, %arg2: memref<323584xi32, #tpu.memory_space<hbm>>, %arg3: memref<128x128xf32, #tpu.memory_space<hbm>>, %arg4: memref<128x128xf32, #tpu.memory_space<hbm>>, %arg5: memref<10240x128xf32, #tpu.memory_space<hbm>>, %arg6: memref<10240x128xf32, #tpu.memory_space<hbm>>, %arg7: memref<1x128xi32, #tpu.memory_space<vmem>>, %arg8: memref<128x128xf32, #tpu.memory_space<vmem>>, %arg9: memref<10240x128xf32, #tpu.memory_space<vmem_shared>>) attributes {dimension_semantics = [#tpu.dimension_semantics<core_parallel>, #tpu.dimension_semantics<subcore_parallel>], iteration_bounds = array<i64: 2, 16>, scalar_prefetch = 0 : i64, scratch_operands = 3 : i64, tpu.core_type = #tpu.core_type<sc_vector_subcore>, window_params = [{transform_indices = #map}, {transform_indices = #map1}, {transform_indices = #map1}, {transform_indices = #map1}, {transform_indices = #map1}]} {
    %mul3A = arith.constant 16 : i32
    %mul3A_0 = arith.muli %arg0, %mul3A : i32
    %add3A = arith.addi %mul3A_0, %arg1 : i32
    "tpu.region"() ({
      %run_scoped3A = tpu.sem_alloc : memref<!tpu.dma_semaphore, #tpu.memory_space<semaphore_mem>>
      tpu.enqueue_dma source(%arg3 : memref<128x128xf32, #tpu.memory_space<hbm>>) target(%arg8 : memref<128x128xf32, #tpu.memory_space<vmem>>) target_semaphore(%run_scoped3A : memref<!tpu.dma_semaphore, #tpu.memory_space<semaphore_mem>>)
      tpu.wait_dma2 semaphore(%run_scoped3A : memref<!tpu.dma_semaphore, #tpu.memory_space<semaphore_mem>>) src(%arg3 : memref<128x128xf32, #tpu.memory_space<hbm>>) dst(%arg8 : memref<128x128xf32, #tpu.memory_space<vmem>>)
      tpu.yield
    }) : () -> ()
    %scan3A = arith.constant 0 : i32
    %scan3A_1 = arith.constant 5 : i32
    %scan3A_2 = arith.addi %scan3A, %scan3A_1 : i32
    %scan3A_3 = arith.constant 1 : i32
    scf.for %scan3A_18 = %scan3A to %scan3A_2 step %scan3A_3  : i32 {
      %mul3A_19 = arith.constant 1 : i32
      %mul3A_20 = arith.muli %scan3A_18, %mul3A_19 : i32
      %add3A_21 = arith.constant 0 : i32
      %add3A_22 = arith.addi %add3A_21, %mul3A_20 : i32
      %mul3A_23 = arith.constant 640 : i32
      %mul3A_24 = arith.muli %arg1, %mul3A_23 : i32
      %mul3A_25 = arith.constant 128 : i32
      %mul3A_26 = arith.muli %add3A_22, %mul3A_25 : i32
      %add3A_27 = arith.addi %mul3A_24, %mul3A_26 : i32
      "tpu.region"() ({
        %run_scoped3A = tpu.sem_alloc : memref<!tpu.dma_semaphore, #tpu.memory_space<semaphore_mem>>
        %dma_start3A = arith.constant 0 : i32
        %dma_start3A_28 = tpu.memref_slice %arg9[%add3A_27, %dma_start3A] : memref<10240x128xf32, #tpu.memory_space<vmem_shared>> -> memref<128x128xf32, #tpu.memory_space<vmem_shared>>
        %dma_start3A_29 = arith.constant 0 : i32
        %dma_start3A_30 = tpu.memref_slice %arg9[%add3A_27, %dma_start3A_29] : memref<10240x128xf32, #tpu.memory_space<vmem_shared>> -> memref<128x128xf32, #tpu.memory_space<vmem_shared>>
        tpu.enqueue_dma source(%arg8 : memref<128x128xf32, #tpu.memory_space<vmem>>) target(%dma_start3A_30 : memref<128x128xf32, #tpu.memory_space<vmem_shared>>) target_semaphore(%run_scoped3A : memref<!tpu.dma_semaphore, #tpu.memory_space<semaphore_mem>>)
        %dma_wait3A = arith.constant 0 : i32
        %dma_wait3A_31 = tpu.memref_slice %arg9[%add3A_27, %dma_wait3A] : memref<10240x128xf32, #tpu.memory_space<vmem_shared>> -> memref<128x128xf32, #tpu.memory_space<vmem_shared>>
        %dma_wait3A_32 = arith.constant 0 : i32
        %dma_wait3A_33 = tpu.memref_slice %arg9[%add3A_27, %dma_wait3A_32] : memref<10240x128xf32, #tpu.memory_space<vmem_shared>> -> memref<128x128xf32, #tpu.memory_space<vmem_shared>>
        tpu.wait_dma2 semaphore(%run_scoped3A : memref<!tpu.dma_semaphore, #tpu.memory_space<semaphore_mem>>) src(%arg8 : memref<128x128xf32, #tpu.memory_space<vmem>>) dst(%dma_wait3A_33 : memref<128x128xf32, #tpu.memory_space<vmem_shared>>)
        tpu.yield
      }) : () -> ()
    }
    %scan3A_4 = arith.constant 5 : i32
    %barrier3A = arith.constant 0 : index
    tpu.barrier barrier_id(%barrier3A)
    "tpu.region"() ({
      %run_scoped3A = tpu.sem_alloc : memref<!tpu.dma_semaphore, #tpu.memory_space<semaphore_mem>>
      tpu.enqueue_dma source(%arg4 : memref<128x128xf32, #tpu.memory_space<hbm>>) target(%arg8 : memref<128x128xf32, #tpu.memory_space<vmem>>) target_semaphore(%run_scoped3A : memref<!tpu.dma_semaphore, #tpu.memory_space<semaphore_mem>>)
      tpu.wait_dma2 semaphore(%run_scoped3A : memref<!tpu.dma_semaphore, #tpu.memory_space<semaphore_mem>>) src(%arg4 : memref<128x128xf32, #tpu.memory_space<hbm>>) dst(%arg8 : memref<128x128xf32, #tpu.memory_space<vmem>>)
      tpu.yield
    }) : () -> ()
    %scan3A_5 = arith.constant 0 : i32
    %scan3A_6 = arith.constant 79 : i32
    %scan3A_7 = arith.addi %scan3A_5, %scan3A_6 : i32
    %scan3A_8 = arith.constant 1 : i32
    scf.for %scan3A_18 = %scan3A_5 to %scan3A_7 step %scan3A_8  : i32 {
      %mul3A_19 = arith.constant 1 : i32
      %mul3A_20 = arith.muli %scan3A_18, %mul3A_19 : i32
      %add3A_21 = arith.constant 0 : i32
      %add3A_22 = arith.addi %add3A_21, %mul3A_20 : i32
      %mul3A_23 = arith.constant 10112 : i32
      %mul3A_24 = arith.muli %add3A, %mul3A_23 : i32
      %mul3A_25 = arith.constant 128 : i32
      %mul3A_26 = arith.muli %add3A_22, %mul3A_25 : i32
      %add3A_27 = arith.addi %mul3A_24, %mul3A_26 : i32
      %run_scoped3A = arith.constant 0 : i32
      "tpu.region"() ({
        %run_scoped3A_29 = tpu.sem_alloc : memref<!tpu.dma_semaphore, #tpu.memory_space<semaphore_mem>>
        %dma_start3A = arith.constant 0 : i32
        %dma_start3A_30 = tpu.memref_slice %arg7[%run_scoped3A, %dma_start3A] : memref<1x128xi32, #tpu.memory_space<vmem>> -> memref<1x128xi32, #tpu.memory_space<vmem>>
        %dma_start3A_31 = tpu.memref_squeeze %dma_start3A_30 : memref<1x128xi32, #tpu.memory_space<vmem>> -> memref<128xi32, #tpu.memory_space<vmem>>
        %dma_start3A_32 = tpu.memref_slice %arg2[%add3A_27] : memref<323584xi32, #tpu.memory_space<hbm>> -> memref<128xi32, #tpu.memory_space<hbm>>
        %dma_start3A_33 = arith.constant 0 : i32
        %dma_start3A_34 = tpu.memref_slice %arg7[%run_scoped3A, %dma_start3A_33] : memref<1x128xi32, #tpu.memory_space<vmem>> -> memref<1x128xi32, #tpu.memory_space<vmem>>
        %dma_start3A_35 = tpu.memref_squeeze %dma_start3A_34 : memref<1x128xi32, #tpu.memory_space<vmem>> -> memref<128xi32, #tpu.memory_space<vmem>>
        %dma_start3A_36 = tpu.memref_slice %arg2[%add3A_27] : memref<323584xi32, #tpu.memory_space<hbm>> -> memref<128xi32, #tpu.memory_space<hbm>>
        tpu.enqueue_dma source(%dma_start3A_36 : memref<128xi32, #tpu.memory_space<hbm>>) target(%dma_start3A_35 : memref<128xi32, #tpu.memory_space<vmem>>) target_semaphore(%run_scoped3A_29 : memref<!tpu.dma_semaphore, #tpu.memory_space<semaphore_mem>>)
        %dma_wait3A = arith.constant 0 : i32
        %dma_wait3A_37 = tpu.memref_slice %arg7[%run_scoped3A, %dma_wait3A] : memref<1x128xi32, #tpu.memory_space<vmem>> -> memref<1x128xi32, #tpu.memory_space<vmem>>
        %dma_wait3A_38 = tpu.memref_squeeze %dma_wait3A_37 : memref<1x128xi32, #tpu.memory_space<vmem>> -> memref<128xi32, #tpu.memory_space<vmem>>
        %dma_wait3A_39 = tpu.memref_slice %arg2[%add3A_27] : memref<323584xi32, #tpu.memory_space<hbm>> -> memref<128xi32, #tpu.memory_space<hbm>>
        %dma_wait3A_40 = arith.constant 0 : i32
        %dma_wait3A_41 = tpu.memref_slice %arg7[%run_scoped3A, %dma_wait3A_40] : memref<1x128xi32, #tpu.memory_space<vmem>> -> memref<1x128xi32, #tpu.memory_space<vmem>>
        %dma_wait3A_42 = tpu.memref_squeeze %dma_wait3A_41 : memref<1x128xi32, #tpu.memory_space<vmem>> -> memref<128xi32, #tpu.memory_space<vmem>>
        %dma_wait3A_43 = tpu.memref_slice %arg2[%add3A_27] : memref<323584xi32, #tpu.memory_space<hbm>> -> memref<128xi32, #tpu.memory_space<hbm>>
        tpu.wait_dma2 semaphore(%run_scoped3A_29 : memref<!tpu.dma_semaphore, #tpu.memory_space<semaphore_mem>>) src(%dma_wait3A_43 : memref<128xi32, #tpu.memory_space<hbm>>) dst(%dma_wait3A_42 : memref<128xi32, #tpu.memory_space<vmem>>)
        tpu.yield
      }) : () -> ()
      %run_scoped3A_28 = arith.constant 0 : i32
      "tpu.region"() ({
        %run_scoped3A_29 = tpu.sem_alloc : memref<!tpu.dma_semaphore, #tpu.memory_space<semaphore_mem>>
        %dma_start3A = arith.constant 0 : i32
        %dma_start3A_30 = tpu.memref_slice %arg7[%run_scoped3A_28, %dma_start3A] : memref<1x128xi32, #tpu.memory_space<vmem>> -> memref<1x128xi32, #tpu.memory_space<vmem>>
        %dma_start3A_31 = tpu.memref_squeeze %dma_start3A_30 : memref<1x128xi32, #tpu.memory_space<vmem>> -> memref<128xi32, #tpu.memory_space<vmem>>
        %dma_start3A_32 = arith.constant 0 : i32
        %dma_start3A_33 = arith.constant 0 : i32
        %dma_start3A_34 = tpu.memref_slice %arg9[%dma_start3A_32, %dma_start3A_33] : memref<10240x128xf32, #tpu.memory_space<vmem_shared>> -> memref<10240x128xf32, #tpu.memory_space<vmem_shared>>
        tpu.enqueue_indirect_dma source(%arg8 : memref<128x128xf32, #tpu.memory_space<vmem>>) target(%dma_start3A_34 : memref<10240x128xf32, #tpu.memory_space<vmem_shared>>) offsets(%dma_start3A_31 : memref<128xi32, #tpu.memory_space<vmem>>) semaphore(%run_scoped3A_29 : memref<!tpu.dma_semaphore, #tpu.memory_space<semaphore_mem>>) {add = true}
        %dma_wait3A = arith.constant 0 : i32
        %dma_wait3A_35 = tpu.memref_slice %arg7[%run_scoped3A_28, %dma_wait3A] : memref<1x128xi32, #tpu.memory_space<vmem>> -> memref<1x128xi32, #tpu.memory_space<vmem>>
        %dma_wait3A_36 = tpu.memref_squeeze %dma_wait3A_35 : memref<1x128xi32, #tpu.memory_space<vmem>> -> memref<128xi32, #tpu.memory_space<vmem>>
        %dma_wait3A_37 = arith.constant 0 : i32
        %dma_wait3A_38 = arith.constant 0 : i32
        %dma_wait3A_39 = tpu.memref_slice %arg9[%dma_wait3A_37, %dma_wait3A_38] : memref<10240x128xf32, #tpu.memory_space<vmem_shared>> -> memref<10240x128xf32, #tpu.memory_space<vmem_shared>>
        tpu.wait_indirect_dma semaphore(%run_scoped3A_29 : memref<!tpu.dma_semaphore, #tpu.memory_space<semaphore_mem>>) src(%arg8 : memref<128x128xf32, #tpu.memory_space<vmem>>) dst(%dma_wait3A_39 : memref<10240x128xf32, #tpu.memory_space<vmem_shared>>)
        tpu.yield
      }) : () -> ()
    }
    %scan3A_9 = arith.constant 79 : i32
    %barrier3A_10 = arith.constant 0 : index
    tpu.barrier barrier_id(%barrier3A_10)
    %eq3A = arith.constant 0 : i32
    %eq3A_11 = arith.cmpi eq, %arg0, %eq3A : i32
    %convert_element_type3A = arith.extui %eq3A_11 : i1 to i32
    %cond3A = arith.constant 0 : i32
    %cond3A_12 = arith.cmpi ne, %convert_element_type3A, %cond3A : i32
    scf.if %cond3A_12 {
      %mul3A_18 = arith.constant 640 : i32
      %mul3A_19 = arith.muli %arg1, %mul3A_18 : i32
      %mul3A_20 = arith.constant 640 : i32
      %mul3A_21 = arith.muli %arg1, %mul3A_20 : i32
      "tpu.region"() ({
        %run_scoped3A = tpu.sem_alloc : memref<!tpu.dma_semaphore, #tpu.memory_space<semaphore_mem>>
        %dma_start3A = arith.constant 0 : i32
        %dma_start3A_22 = tpu.memref_slice %arg5[%mul3A_21, %dma_start3A] : memref<10240x128xf32, #tpu.memory_space<hbm>> -> memref<640x128xf32, #tpu.memory_space<hbm>>
        %dma_start3A_23 = arith.constant 0 : i32
        %dma_start3A_24 = tpu.memref_slice %arg9[%mul3A_19, %dma_start3A_23] : memref<10240x128xf32, #tpu.memory_space<vmem_shared>> -> memref<640x128xf32, #tpu.memory_space<vmem_shared>>
        tpu.enqueue_dma source(%dma_start3A_24 : memref<640x128xf32, #tpu.memory_space<vmem_shared>>) target(%dma_start3A_22 : memref<640x128xf32, #tpu.memory_space<hbm>>) target_semaphore(%run_scoped3A : memref<!tpu.dma_semaphore, #tpu.memory_space<semaphore_mem>>)
        %dma_wait3A = arith.constant 0 : i32
        %dma_wait3A_25 = tpu.memref_slice %arg5[%mul3A_21, %dma_wait3A] : memref<10240x128xf32, #tpu.memory_space<hbm>> -> memref<640x128xf32, #tpu.memory_space<hbm>>
        %dma_wait3A_26 = arith.constant 0 : i32
        %dma_wait3A_27 = tpu.memref_slice %arg9[%mul3A_19, %dma_wait3A_26] : memref<10240x128xf32, #tpu.memory_space<vmem_shared>> -> memref<640x128xf32, #tpu.memory_space<vmem_shared>>
        tpu.wait_dma2 semaphore(%run_scoped3A : memref<!tpu.dma_semaphore, #tpu.memory_space<semaphore_mem>>) src(%dma_wait3A_27 : memref<640x128xf32, #tpu.memory_space<vmem_shared>>) dst(%dma_wait3A_25 : memref<640x128xf32, #tpu.memory_space<hbm>>)
        tpu.yield
      }) : () -> ()
    } else {
    }
    %eq3A_13 = arith.constant 1 : i32
    %eq3A_14 = arith.cmpi eq, %arg0, %eq3A_13 : i32
    %convert_element_type3A_15 = arith.extui %eq3A_14 : i1 to i32
    %cond3A_16 = arith.constant 0 : i32
    %cond3A_17 = arith.cmpi ne, %convert_element_type3A_15, %cond3A_16 : i32
    scf.if %cond3A_17 {
      %mul3A_18 = arith.constant 640 : i32
      %mul3A_19 = arith.muli %arg1, %mul3A_18 : i32
      %mul3A_20 = arith.constant 640 : i32
      %mul3A_21 = arith.muli %arg1, %mul3A_20 : i32
      "tpu.region"() ({
        %run_scoped3A = tpu.sem_alloc : memref<!tpu.dma_semaphore, #tpu.memory_space<semaphore_mem>>
        %dma_start3A = arith.constant 0 : i32
        %dma_start3A_22 = tpu.memref_slice %arg6[%mul3A_21, %dma_start3A] : memref<10240x128xf32, #tpu.memory_space<hbm>> -> memref<640x128xf32, #tpu.memory_space<hbm>>
        %dma_start3A_23 = arith.constant 0 : i32
        %dma_start3A_24 = tpu.memref_slice %arg9[%mul3A_19, %dma_start3A_23] : memref<10240x128xf32, #tpu.memory_space<vmem_shared>> -> memref<640x128xf32, #tpu.memory_space<vmem_shared>>
        tpu.enqueue_dma source(%dma_start3A_24 : memref<640x128xf32, #tpu.memory_space<vmem_shared>>) target(%dma_start3A_22 : memref<640x128xf32, #tpu.memory_space<hbm>>) target_semaphore(%run_scoped3A : memref<!tpu.dma_semaphore, #tpu.memory_space<semaphore_mem>>)
        %dma_wait3A = arith.constant 0 : i32
        %dma_wait3A_25 = tpu.memref_slice %arg6[%mul3A_21, %dma_wait3A] : memref<10240x128xf32, #tpu.memory_space<hbm>> -> memref<640x128xf32, #tpu.memory_space<hbm>>
        %dma_wait3A_26 = arith.constant 0 : i32
        %dma_wait3A_27 = tpu.memref_slice %arg9[%mul3A_19, %dma_wait3A_26] : memref<10240x128xf32, #tpu.memory_space<vmem_shared>> -> memref<640x128xf32, #tpu.memory_space<vmem_shared>>
        tpu.wait_dma2 semaphore(%run_scoped3A : memref<!tpu.dma_semaphore, #tpu.memory_space<semaphore_mem>>) src(%dma_wait3A_27 : memref<640x128xf32, #tpu.memory_space<vmem_shared>>) dst(%dma_wait3A_25 : memref<640x128xf32, #tpu.memory_space<hbm>>)
        tpu.yield
      }) : () -> ()
    } else {
    }
    return
  }
}

#map = affine_map<(d0, d1) -> (0, 0)>
#map1 = affine_map<(d0, d1) -> (0)>
module attributes {stable_mosaic.version = 14 : i64} {
  func.func @agg_kernel(%arg0: i32, %arg1: i32, %arg2: memref<10240x128xf32, #tpu.memory_space<hbm>>, %arg3: memref<323584xi32, #tpu.memory_space<hbm>>, %arg4: memref<323584xi32, #tpu.memory_space<hbm>>, %arg5: memref<128x128xf32, #tpu.memory_space<hbm>>, %arg6: memref<10240x128xf32, #tpu.memory_space<hbm>>, %arg7: memref<10240x128xf32, #tpu.memory_space<hbm>>, %arg8: memref<128xi32, #tpu.memory_space<vmem>>, %arg9: memref<1x128xi32, #tpu.memory_space<vmem>>, %arg10: memref<128x128xf32, #tpu.memory_space<vmem>>, %arg11: memref<10240x128xf32, #tpu.memory_space<vmem_shared>>) attributes {dimension_semantics = [#tpu.dimension_semantics<core_parallel>, #tpu.dimension_semantics<subcore_parallel>], iteration_bounds = array<i64: 2, 16>, scalar_prefetch = 0 : i64, scratch_operands = 4 : i64, tpu.core_type = #tpu.core_type<sc_vector_subcore>, window_params = [{transform_indices = #map}, {transform_indices = #map1}, {transform_indices = #map1}, {transform_indices = #map}, {transform_indices = #map}, {transform_indices = #map}]} {
    %mul3A = arith.constant 16 : i32
    %mul3A_0 = arith.muli %arg0, %mul3A : i32
    %add3A = arith.addi %mul3A_0, %arg1 : i32
    "tpu.region"() ({
      %run_scoped3A = tpu.sem_alloc : memref<!tpu.dma_semaphore, #tpu.memory_space<semaphore_mem>>
      tpu.enqueue_dma source(%arg5 : memref<128x128xf32, #tpu.memory_space<hbm>>) target(%arg10 : memref<128x128xf32, #tpu.memory_space<vmem>>) target_semaphore(%run_scoped3A : memref<!tpu.dma_semaphore, #tpu.memory_space<semaphore_mem>>)
      tpu.wait_dma2 semaphore(%run_scoped3A : memref<!tpu.dma_semaphore, #tpu.memory_space<semaphore_mem>>) src(%arg5 : memref<128x128xf32, #tpu.memory_space<hbm>>) dst(%arg10 : memref<128x128xf32, #tpu.memory_space<vmem>>)
      tpu.yield
    }) : () -> ()
    %scan3A = arith.constant 0 : i32
    %scan3A_1 = arith.constant 5 : i32
    %scan3A_2 = arith.addi %scan3A, %scan3A_1 : i32
    %scan3A_3 = arith.constant 1 : i32
    scf.for %scan3A_18 = %scan3A to %scan3A_2 step %scan3A_3  : i32 {
      %mul3A_19 = arith.constant 1 : i32
      %mul3A_20 = arith.muli %scan3A_18, %mul3A_19 : i32
      %add3A_21 = arith.constant 0 : i32
      %add3A_22 = arith.addi %add3A_21, %mul3A_20 : i32
      %mul3A_23 = arith.constant 640 : i32
      %mul3A_24 = arith.muli %arg1, %mul3A_23 : i32
      %mul3A_25 = arith.constant 128 : i32
      %mul3A_26 = arith.muli %add3A_22, %mul3A_25 : i32
      %add3A_27 = arith.addi %mul3A_24, %mul3A_26 : i32
      "tpu.region"() ({
        %run_scoped3A = tpu.sem_alloc : memref<!tpu.dma_semaphore, #tpu.memory_space<semaphore_mem>>
        %dma_start3A = arith.constant 0 : i32
        %dma_start3A_28 = tpu.memref_slice %arg11[%add3A_27, %dma_start3A] : memref<10240x128xf32, #tpu.memory_space<vmem_shared>> -> memref<128x128xf32, #tpu.memory_space<vmem_shared>>
        %dma_start3A_29 = arith.constant 0 : i32
        %dma_start3A_30 = tpu.memref_slice %arg11[%add3A_27, %dma_start3A_29] : memref<10240x128xf32, #tpu.memory_space<vmem_shared>> -> memref<128x128xf32, #tpu.memory_space<vmem_shared>>
        tpu.enqueue_dma source(%arg10 : memref<128x128xf32, #tpu.memory_space<vmem>>) target(%dma_start3A_30 : memref<128x128xf32, #tpu.memory_space<vmem_shared>>) target_semaphore(%run_scoped3A : memref<!tpu.dma_semaphore, #tpu.memory_space<semaphore_mem>>)
        %dma_wait3A = arith.constant 0 : i32
        %dma_wait3A_31 = tpu.memref_slice %arg11[%add3A_27, %dma_wait3A] : memref<10240x128xf32, #tpu.memory_space<vmem_shared>> -> memref<128x128xf32, #tpu.memory_space<vmem_shared>>
        %dma_wait3A_32 = arith.constant 0 : i32
        %dma_wait3A_33 = tpu.memref_slice %arg11[%add3A_27, %dma_wait3A_32] : memref<10240x128xf32, #tpu.memory_space<vmem_shared>> -> memref<128x128xf32, #tpu.memory_space<vmem_shared>>
        tpu.wait_dma2 semaphore(%run_scoped3A : memref<!tpu.dma_semaphore, #tpu.memory_space<semaphore_mem>>) src(%arg10 : memref<128x128xf32, #tpu.memory_space<vmem>>) dst(%dma_wait3A_33 : memref<128x128xf32, #tpu.memory_space<vmem_shared>>)
        tpu.yield
      }) : () -> ()
    }
    %scan3A_4 = arith.constant 5 : i32
    %barrier3A = arith.constant 0 : index
    tpu.barrier barrier_id(%barrier3A)
    %scan3A_5 = arith.constant 0 : i32
    %scan3A_6 = arith.constant 79 : i32
    %scan3A_7 = arith.addi %scan3A_5, %scan3A_6 : i32
    %scan3A_8 = arith.constant 1 : i32
    scf.for %scan3A_18 = %scan3A_5 to %scan3A_7 step %scan3A_8  : i32 {
      %mul3A_19 = arith.constant 1 : i32
      %mul3A_20 = arith.muli %scan3A_18, %mul3A_19 : i32
      %add3A_21 = arith.constant 0 : i32
      %add3A_22 = arith.addi %add3A_21, %mul3A_20 : i32
      %mul3A_23 = arith.constant 10112 : i32
      %mul3A_24 = arith.muli %add3A, %mul3A_23 : i32
      %mul3A_25 = arith.constant 128 : i32
      %mul3A_26 = arith.muli %add3A_22, %mul3A_25 : i32
      %add3A_27 = arith.addi %mul3A_24, %mul3A_26 : i32
      "tpu.region"() ({
        %run_scoped3A_29 = tpu.sem_alloc : memref<!tpu.dma_semaphore, #tpu.memory_space<semaphore_mem>>
        %dma_start3A = tpu.memref_slice %arg3[%add3A_27] : memref<323584xi32, #tpu.memory_space<hbm>> -> memref<128xi32, #tpu.memory_space<hbm>>
        %dma_start3A_30 = tpu.memref_slice %arg3[%add3A_27] : memref<323584xi32, #tpu.memory_space<hbm>> -> memref<128xi32, #tpu.memory_space<hbm>>
        tpu.enqueue_dma source(%dma_start3A_30 : memref<128xi32, #tpu.memory_space<hbm>>) target(%arg8 : memref<128xi32, #tpu.memory_space<vmem>>) target_semaphore(%run_scoped3A_29 : memref<!tpu.dma_semaphore, #tpu.memory_space<semaphore_mem>>)
        %dma_wait3A = tpu.memref_slice %arg3[%add3A_27] : memref<323584xi32, #tpu.memory_space<hbm>> -> memref<128xi32, #tpu.memory_space<hbm>>
        %dma_wait3A_31 = tpu.memref_slice %arg3[%add3A_27] : memref<323584xi32, #tpu.memory_space<hbm>> -> memref<128xi32, #tpu.memory_space<hbm>>
        tpu.wait_dma2 semaphore(%run_scoped3A_29 : memref<!tpu.dma_semaphore, #tpu.memory_space<semaphore_mem>>) src(%dma_wait3A_31 : memref<128xi32, #tpu.memory_space<hbm>>) dst(%arg8 : memref<128xi32, #tpu.memory_space<vmem>>)
        tpu.yield
      }) : () -> ()
      %run_scoped3A = arith.constant 0 : i32
      "tpu.region"() ({
        %run_scoped3A_29 = tpu.sem_alloc : memref<!tpu.dma_semaphore, #tpu.memory_space<semaphore_mem>>
        %dma_start3A = arith.constant 0 : i32
        %dma_start3A_30 = tpu.memref_slice %arg9[%run_scoped3A, %dma_start3A] : memref<1x128xi32, #tpu.memory_space<vmem>> -> memref<1x128xi32, #tpu.memory_space<vmem>>
        %dma_start3A_31 = tpu.memref_squeeze %dma_start3A_30 : memref<1x128xi32, #tpu.memory_space<vmem>> -> memref<128xi32, #tpu.memory_space<vmem>>
        %dma_start3A_32 = tpu.memref_slice %arg4[%add3A_27] : memref<323584xi32, #tpu.memory_space<hbm>> -> memref<128xi32, #tpu.memory_space<hbm>>
        %dma_start3A_33 = arith.constant 0 : i32
        %dma_start3A_34 = tpu.memref_slice %arg9[%run_scoped3A, %dma_start3A_33] : memref<1x128xi32, #tpu.memory_space<vmem>> -> memref<1x128xi32, #tpu.memory_space<vmem>>
        %dma_start3A_35 = tpu.memref_squeeze %dma_start3A_34 : memref<1x128xi32, #tpu.memory_space<vmem>> -> memref<128xi32, #tpu.memory_space<vmem>>
        %dma_start3A_36 = tpu.memref_slice %arg4[%add3A_27] : memref<323584xi32, #tpu.memory_space<hbm>> -> memref<128xi32, #tpu.memory_space<hbm>>
        tpu.enqueue_dma source(%dma_start3A_36 : memref<128xi32, #tpu.memory_space<hbm>>) target(%dma_start3A_35 : memref<128xi32, #tpu.memory_space<vmem>>) target_semaphore(%run_scoped3A_29 : memref<!tpu.dma_semaphore, #tpu.memory_space<semaphore_mem>>)
        %dma_wait3A = arith.constant 0 : i32
        %dma_wait3A_37 = tpu.memref_slice %arg9[%run_scoped3A, %dma_wait3A] : memref<1x128xi32, #tpu.memory_space<vmem>> -> memref<1x128xi32, #tpu.memory_space<vmem>>
        %dma_wait3A_38 = tpu.memref_squeeze %dma_wait3A_37 : memref<1x128xi32, #tpu.memory_space<vmem>> -> memref<128xi32, #tpu.memory_space<vmem>>
        %dma_wait3A_39 = tpu.memref_slice %arg4[%add3A_27] : memref<323584xi32, #tpu.memory_space<hbm>> -> memref<128xi32, #tpu.memory_space<hbm>>
        %dma_wait3A_40 = arith.constant 0 : i32
        %dma_wait3A_41 = tpu.memref_slice %arg9[%run_scoped3A, %dma_wait3A_40] : memref<1x128xi32, #tpu.memory_space<vmem>> -> memref<1x128xi32, #tpu.memory_space<vmem>>
        %dma_wait3A_42 = tpu.memref_squeeze %dma_wait3A_41 : memref<1x128xi32, #tpu.memory_space<vmem>> -> memref<128xi32, #tpu.memory_space<vmem>>
        %dma_wait3A_43 = tpu.memref_slice %arg4[%add3A_27] : memref<323584xi32, #tpu.memory_space<hbm>> -> memref<128xi32, #tpu.memory_space<hbm>>
        tpu.wait_dma2 semaphore(%run_scoped3A_29 : memref<!tpu.dma_semaphore, #tpu.memory_space<semaphore_mem>>) src(%dma_wait3A_43 : memref<128xi32, #tpu.memory_space<hbm>>) dst(%dma_wait3A_42 : memref<128xi32, #tpu.memory_space<vmem>>)
        tpu.yield
      }) : () -> ()
      "tpu.region"() ({
        %run_scoped3A_29 = tpu.sem_alloc : memref<!tpu.dma_semaphore, #tpu.memory_space<semaphore_mem>>
        %dma_start3A = arith.constant 0 : i32
        %dma_start3A_30 = arith.constant 0 : i32
        %dma_start3A_31 = tpu.memref_slice %arg2[%dma_start3A, %dma_start3A_30] : memref<10240x128xf32, #tpu.memory_space<hbm>> -> memref<10240x128xf32, #tpu.memory_space<hbm>>
        tpu.enqueue_indirect_dma source(%dma_start3A_31 : memref<10240x128xf32, #tpu.memory_space<hbm>>) target(%arg10 : memref<128x128xf32, #tpu.memory_space<vmem>>) offsets(%arg8 : memref<128xi32, #tpu.memory_space<vmem>>) semaphore(%run_scoped3A_29 : memref<!tpu.dma_semaphore, #tpu.memory_space<semaphore_mem>>)
        %dma_wait3A = arith.constant 0 : i32
        %dma_wait3A_32 = arith.constant 0 : i32
        %dma_wait3A_33 = tpu.memref_slice %arg2[%dma_wait3A, %dma_wait3A_32] : memref<10240x128xf32, #tpu.memory_space<hbm>> -> memref<10240x128xf32, #tpu.memory_space<hbm>>
        tpu.wait_indirect_dma semaphore(%run_scoped3A_29 : memref<!tpu.dma_semaphore, #tpu.memory_space<semaphore_mem>>) src(%dma_wait3A_33 : memref<10240x128xf32, #tpu.memory_space<hbm>>) dst(%arg10 : memref<128x128xf32, #tpu.memory_space<vmem>>)
        tpu.yield
      }) : () -> ()
      %run_scoped3A_28 = arith.constant 0 : i32
      "tpu.region"() ({
        %run_scoped3A_29 = tpu.sem_alloc : memref<!tpu.dma_semaphore, #tpu.memory_space<semaphore_mem>>
        %dma_start3A = arith.constant 0 : i32
        %dma_start3A_30 = tpu.memref_slice %arg9[%run_scoped3A_28, %dma_start3A] : memref<1x128xi32, #tpu.memory_space<vmem>> -> memref<1x128xi32, #tpu.memory_space<vmem>>
        %dma_start3A_31 = tpu.memref_squeeze %dma_start3A_30 : memref<1x128xi32, #tpu.memory_space<vmem>> -> memref<128xi32, #tpu.memory_space<vmem>>
        %dma_start3A_32 = arith.constant 0 : i32
        %dma_start3A_33 = arith.constant 0 : i32
        %dma_start3A_34 = tpu.memref_slice %arg11[%dma_start3A_32, %dma_start3A_33] : memref<10240x128xf32, #tpu.memory_space<vmem_shared>> -> memref<10240x128xf32, #tpu.memory_space<vmem_shared>>
        tpu.enqueue_indirect_dma source(%arg10 : memref<128x128xf32, #tpu.memory_space<vmem>>) target(%dma_start3A_34 : memref<10240x128xf32, #tpu.memory_space<vmem_shared>>) offsets(%dma_start3A_31 : memref<128xi32, #tpu.memory_space<vmem>>) semaphore(%run_scoped3A_29 : memref<!tpu.dma_semaphore, #tpu.memory_space<semaphore_mem>>) {add = true}
        %dma_wait3A = arith.constant 0 : i32
        %dma_wait3A_35 = tpu.memref_slice %arg9[%run_scoped3A_28, %dma_wait3A] : memref<1x128xi32, #tpu.memory_space<vmem>> -> memref<1x128xi32, #tpu.memory_space<vmem>>
        %dma_wait3A_36 = tpu.memref_squeeze %dma_wait3A_35 : memref<1x128xi32, #tpu.memory_space<vmem>> -> memref<128xi32, #tpu.memory_space<vmem>>
        %dma_wait3A_37 = arith.constant 0 : i32
        %dma_wait3A_38 = arith.constant 0 : i32
        %dma_wait3A_39 = tpu.memref_slice %arg11[%dma_wait3A_37, %dma_wait3A_38] : memref<10240x128xf32, #tpu.memory_space<vmem_shared>> -> memref<10240x128xf32, #tpu.memory_space<vmem_shared>>
        tpu.wait_indirect_dma semaphore(%run_scoped3A_29 : memref<!tpu.dma_semaphore, #tpu.memory_space<semaphore_mem>>) src(%arg10 : memref<128x128xf32, #tpu.memory_space<vmem>>) dst(%dma_wait3A_39 : memref<10240x128xf32, #tpu.memory_space<vmem_shared>>)
        tpu.yield
      }) : () -> ()
    }
    %scan3A_9 = arith.constant 79 : i32
    %barrier3A_10 = arith.constant 0 : index
    tpu.barrier barrier_id(%barrier3A_10)
    %eq3A = arith.constant 0 : i32
    %eq3A_11 = arith.cmpi eq, %arg0, %eq3A : i32
    %convert_element_type3A = arith.extui %eq3A_11 : i1 to i32
    %cond3A = arith.constant 0 : i32
    %cond3A_12 = arith.cmpi ne, %convert_element_type3A, %cond3A : i32
    scf.if %cond3A_12 {
      %mul3A_18 = arith.constant 640 : i32
      %mul3A_19 = arith.muli %arg1, %mul3A_18 : i32
      %mul3A_20 = arith.constant 640 : i32
      %mul3A_21 = arith.muli %arg1, %mul3A_20 : i32
      "tpu.region"() ({
        %run_scoped3A = tpu.sem_alloc : memref<!tpu.dma_semaphore, #tpu.memory_space<semaphore_mem>>
        %dma_start3A = arith.constant 0 : i32
        %dma_start3A_22 = tpu.memref_slice %arg6[%mul3A_21, %dma_start3A] : memref<10240x128xf32, #tpu.memory_space<hbm>> -> memref<640x128xf32, #tpu.memory_space<hbm>>
        %dma_start3A_23 = arith.constant 0 : i32
        %dma_start3A_24 = tpu.memref_slice %arg11[%mul3A_19, %dma_start3A_23] : memref<10240x128xf32, #tpu.memory_space<vmem_shared>> -> memref<640x128xf32, #tpu.memory_space<vmem_shared>>
        tpu.enqueue_dma source(%dma_start3A_24 : memref<640x128xf32, #tpu.memory_space<vmem_shared>>) target(%dma_start3A_22 : memref<640x128xf32, #tpu.memory_space<hbm>>) target_semaphore(%run_scoped3A : memref<!tpu.dma_semaphore, #tpu.memory_space<semaphore_mem>>)
        %dma_wait3A = arith.constant 0 : i32
        %dma_wait3A_25 = tpu.memref_slice %arg6[%mul3A_21, %dma_wait3A] : memref<10240x128xf32, #tpu.memory_space<hbm>> -> memref<640x128xf32, #tpu.memory_space<hbm>>
        %dma_wait3A_26 = arith.constant 0 : i32
        %dma_wait3A_27 = tpu.memref_slice %arg11[%mul3A_19, %dma_wait3A_26] : memref<10240x128xf32, #tpu.memory_space<vmem_shared>> -> memref<640x128xf32, #tpu.memory_space<vmem_shared>>
        tpu.wait_dma2 semaphore(%run_scoped3A : memref<!tpu.dma_semaphore, #tpu.memory_space<semaphore_mem>>) src(%dma_wait3A_27 : memref<640x128xf32, #tpu.memory_space<vmem_shared>>) dst(%dma_wait3A_25 : memref<640x128xf32, #tpu.memory_space<hbm>>)
        tpu.yield
      }) : () -> ()
    } else {
    }
    %eq3A_13 = arith.constant 1 : i32
    %eq3A_14 = arith.cmpi eq, %arg0, %eq3A_13 : i32
    %convert_element_type3A_15 = arith.extui %eq3A_14 : i1 to i32
    %cond3A_16 = arith.constant 0 : i32
    %cond3A_17 = arith.cmpi ne, %convert_element_type3A_15, %cond3A_16 : i32
    scf.if %cond3A_17 {
      %mul3A_18 = arith.constant 640 : i32
      %mul3A_19 = arith.muli %arg1, %mul3A_18 : i32
      %mul3A_20 = arith.constant 640 : i32
      %mul3A_21 = arith.muli %arg1, %mul3A_20 : i32
      "tpu.region"() ({
        %run_scoped3A = tpu.sem_alloc : memref<!tpu.dma_semaphore, #tpu.memory_space<semaphore_mem>>
        %dma_start3A = arith.constant 0 : i32
        %dma_start3A_22 = tpu.memref_slice %arg7[%mul3A_21, %dma_start3A] : memref<10240x128xf32, #tpu.memory_space<hbm>> -> memref<640x128xf32, #tpu.memory_space<hbm>>
        %dma_start3A_23 = arith.constant 0 : i32
        %dma_start3A_24 = tpu.memref_slice %arg11[%mul3A_19, %dma_start3A_23] : memref<10240x128xf32, #tpu.memory_space<vmem_shared>> -> memref<640x128xf32, #tpu.memory_space<vmem_shared>>
        tpu.enqueue_dma source(%dma_start3A_24 : memref<640x128xf32, #tpu.memory_space<vmem_shared>>) target(%dma_start3A_22 : memref<640x128xf32, #tpu.memory_space<hbm>>) target_semaphore(%run_scoped3A : memref<!tpu.dma_semaphore, #tpu.memory_space<semaphore_mem>>)
        %dma_wait3A = arith.constant 0 : i32
        %dma_wait3A_25 = tpu.memref_slice %arg7[%mul3A_21, %dma_wait3A] : memref<10240x128xf32, #tpu.memory_space<hbm>> -> memref<640x128xf32, #tpu.memory_space<hbm>>
        %dma_wait3A_26 = arith.constant 0 : i32
        %dma_wait3A_27 = tpu.memref_slice %arg11[%mul3A_19, %dma_wait3A_26] : memref<10240x128xf32, #tpu.memory_space<vmem_shared>> -> memref<640x128xf32, #tpu.memory_space<vmem_shared>>
        tpu.wait_dma2 semaphore(%run_scoped3A : memref<!tpu.dma_semaphore, #tpu.memory_space<semaphore_mem>>) src(%dma_wait3A_27 : memref<640x128xf32, #tpu.memory_space<vmem_shared>>) dst(%dma_wait3A_25 : memref<640x128xf32, #tpu.memory_space<hbm>>)
        tpu.yield
      }) : () -> ()
    } else {
    }
    return
  }
}

#map = affine_map<(d0, d1) -> (0, 0)>
#map1 = affine_map<(d0, d1) -> (0)>
module attributes {stable_mosaic.version = 14 : i64} {
  func.func @agg_kernel(%arg0: i32, %arg1: i32, %arg2: memref<10240x128xf32, #tpu.memory_space<hbm>>, %arg3: memref<323584xi32, #tpu.memory_space<hbm>>, %arg4: memref<323584xi32, #tpu.memory_space<hbm>>, %arg5: memref<128x128xf32, #tpu.memory_space<hbm>>, %arg6: memref<10240x128xf32, #tpu.memory_space<hbm>>, %arg7: memref<10240x128xf32, #tpu.memory_space<hbm>>, %arg8: memref<128xi32, #tpu.memory_space<vmem>>, %arg9: memref<1x128xi32, #tpu.memory_space<vmem>>, %arg10: memref<128x128xf32, #tpu.memory_space<vmem>>, %arg11: memref<10240x128xf32, #tpu.memory_space<vmem_shared>>) attributes {dimension_semantics = [#tpu.dimension_semantics<core_parallel>, #tpu.dimension_semantics<subcore_parallel>], iteration_bounds = array<i64: 2, 16>, scalar_prefetch = 0 : i64, scratch_operands = 4 : i64, tpu.core_type = #tpu.core_type<sc_vector_subcore>, window_params = [{transform_indices = #map}, {transform_indices = #map1}, {transform_indices = #map1}, {transform_indices = #map}, {transform_indices = #map}, {transform_indices = #map}]} {
    %mul3A = arith.constant 16 : i32
    %mul3A_0 = arith.muli %arg0, %mul3A : i32
    %add3A = arith.addi %mul3A_0, %arg1 : i32
    "tpu.region"() ({
      %run_scoped3A = tpu.sem_alloc : memref<!tpu.dma_semaphore, #tpu.memory_space<semaphore_mem>>
      tpu.enqueue_dma source(%arg5 : memref<128x128xf32, #tpu.memory_space<hbm>>) target(%arg10 : memref<128x128xf32, #tpu.memory_space<vmem>>) target_semaphore(%run_scoped3A : memref<!tpu.dma_semaphore, #tpu.memory_space<semaphore_mem>>)
      tpu.wait_dma2 semaphore(%run_scoped3A : memref<!tpu.dma_semaphore, #tpu.memory_space<semaphore_mem>>) src(%arg5 : memref<128x128xf32, #tpu.memory_space<hbm>>) dst(%arg10 : memref<128x128xf32, #tpu.memory_space<vmem>>)
      tpu.yield
    }) : () -> ()
    %scan3A = arith.constant 0 : i32
    %scan3A_1 = arith.constant 5 : i32
    %scan3A_2 = arith.addi %scan3A, %scan3A_1 : i32
    %scan3A_3 = arith.constant 1 : i32
    scf.for %scan3A_18 = %scan3A to %scan3A_2 step %scan3A_3  : i32 {
      %mul3A_19 = arith.constant 1 : i32
      %mul3A_20 = arith.muli %scan3A_18, %mul3A_19 : i32
      %add3A_21 = arith.constant 0 : i32
      %add3A_22 = arith.addi %add3A_21, %mul3A_20 : i32
      %mul3A_23 = arith.constant 640 : i32
      %mul3A_24 = arith.muli %arg1, %mul3A_23 : i32
      %mul3A_25 = arith.constant 128 : i32
      %mul3A_26 = arith.muli %add3A_22, %mul3A_25 : i32
      %add3A_27 = arith.addi %mul3A_24, %mul3A_26 : i32
      "tpu.region"() ({
        %run_scoped3A = tpu.sem_alloc : memref<!tpu.dma_semaphore, #tpu.memory_space<semaphore_mem>>
        %dma_start3A = arith.constant 0 : i32
        %dma_start3A_28 = tpu.memref_slice %arg11[%add3A_27, %dma_start3A] : memref<10240x128xf32, #tpu.memory_space<vmem_shared>> -> memref<128x128xf32, #tpu.memory_space<vmem_shared>>
        %dma_start3A_29 = arith.constant 0 : i32
        %dma_start3A_30 = tpu.memref_slice %arg11[%add3A_27, %dma_start3A_29] : memref<10240x128xf32, #tpu.memory_space<vmem_shared>> -> memref<128x128xf32, #tpu.memory_space<vmem_shared>>
        tpu.enqueue_dma source(%arg10 : memref<128x128xf32, #tpu.memory_space<vmem>>) target(%dma_start3A_30 : memref<128x128xf32, #tpu.memory_space<vmem_shared>>) target_semaphore(%run_scoped3A : memref<!tpu.dma_semaphore, #tpu.memory_space<semaphore_mem>>)
        %dma_wait3A = arith.constant 0 : i32
        %dma_wait3A_31 = tpu.memref_slice %arg11[%add3A_27, %dma_wait3A] : memref<10240x128xf32, #tpu.memory_space<vmem_shared>> -> memref<128x128xf32, #tpu.memory_space<vmem_shared>>
        %dma_wait3A_32 = arith.constant 0 : i32
        %dma_wait3A_33 = tpu.memref_slice %arg11[%add3A_27, %dma_wait3A_32] : memref<10240x128xf32, #tpu.memory_space<vmem_shared>> -> memref<128x128xf32, #tpu.memory_space<vmem_shared>>
        tpu.wait_dma2 semaphore(%run_scoped3A : memref<!tpu.dma_semaphore, #tpu.memory_space<semaphore_mem>>) src(%arg10 : memref<128x128xf32, #tpu.memory_space<vmem>>) dst(%dma_wait3A_33 : memref<128x128xf32, #tpu.memory_space<vmem_shared>>)
        tpu.yield
      }) : () -> ()
    }
    %scan3A_4 = arith.constant 5 : i32
    %barrier3A = arith.constant 0 : index
    tpu.barrier barrier_id(%barrier3A)
    %scan3A_5 = arith.constant 0 : i32
    %scan3A_6 = arith.constant 79 : i32
    %scan3A_7 = arith.addi %scan3A_5, %scan3A_6 : i32
    %scan3A_8 = arith.constant 1 : i32
    scf.for %scan3A_18 = %scan3A_5 to %scan3A_7 step %scan3A_8  : i32 {
      %mul3A_19 = arith.constant 1 : i32
      %mul3A_20 = arith.muli %scan3A_18, %mul3A_19 : i32
      %add3A_21 = arith.constant 0 : i32
      %add3A_22 = arith.addi %add3A_21, %mul3A_20 : i32
      %mul3A_23 = arith.constant 10112 : i32
      %mul3A_24 = arith.muli %add3A, %mul3A_23 : i32
      %mul3A_25 = arith.constant 128 : i32
      %mul3A_26 = arith.muli %add3A_22, %mul3A_25 : i32
      %add3A_27 = arith.addi %mul3A_24, %mul3A_26 : i32
      "tpu.region"() ({
        %run_scoped3A_29 = tpu.sem_alloc : memref<!tpu.dma_semaphore, #tpu.memory_space<semaphore_mem>>
        %dma_start3A = tpu.memref_slice %arg3[%add3A_27] : memref<323584xi32, #tpu.memory_space<hbm>> -> memref<128xi32, #tpu.memory_space<hbm>>
        %dma_start3A_30 = tpu.memref_slice %arg3[%add3A_27] : memref<323584xi32, #tpu.memory_space<hbm>> -> memref<128xi32, #tpu.memory_space<hbm>>
        tpu.enqueue_dma source(%dma_start3A_30 : memref<128xi32, #tpu.memory_space<hbm>>) target(%arg8 : memref<128xi32, #tpu.memory_space<vmem>>) target_semaphore(%run_scoped3A_29 : memref<!tpu.dma_semaphore, #tpu.memory_space<semaphore_mem>>)
        %dma_wait3A = tpu.memref_slice %arg3[%add3A_27] : memref<323584xi32, #tpu.memory_space<hbm>> -> memref<128xi32, #tpu.memory_space<hbm>>
        %dma_wait3A_31 = tpu.memref_slice %arg3[%add3A_27] : memref<323584xi32, #tpu.memory_space<hbm>> -> memref<128xi32, #tpu.memory_space<hbm>>
        tpu.wait_dma2 semaphore(%run_scoped3A_29 : memref<!tpu.dma_semaphore, #tpu.memory_space<semaphore_mem>>) src(%dma_wait3A_31 : memref<128xi32, #tpu.memory_space<hbm>>) dst(%arg8 : memref<128xi32, #tpu.memory_space<vmem>>)
        tpu.yield
      }) : () -> ()
      %run_scoped3A = arith.constant 0 : i32
      "tpu.region"() ({
        %run_scoped3A_29 = tpu.sem_alloc : memref<!tpu.dma_semaphore, #tpu.memory_space<semaphore_mem>>
        %dma_start3A = arith.constant 0 : i32
        %dma_start3A_30 = tpu.memref_slice %arg9[%run_scoped3A, %dma_start3A] : memref<1x128xi32, #tpu.memory_space<vmem>> -> memref<1x128xi32, #tpu.memory_space<vmem>>
        %dma_start3A_31 = tpu.memref_squeeze %dma_start3A_30 : memref<1x128xi32, #tpu.memory_space<vmem>> -> memref<128xi32, #tpu.memory_space<vmem>>
        %dma_start3A_32 = tpu.memref_slice %arg4[%add3A_27] : memref<323584xi32, #tpu.memory_space<hbm>> -> memref<128xi32, #tpu.memory_space<hbm>>
        %dma_start3A_33 = arith.constant 0 : i32
        %dma_start3A_34 = tpu.memref_slice %arg9[%run_scoped3A, %dma_start3A_33] : memref<1x128xi32, #tpu.memory_space<vmem>> -> memref<1x128xi32, #tpu.memory_space<vmem>>
        %dma_start3A_35 = tpu.memref_squeeze %dma_start3A_34 : memref<1x128xi32, #tpu.memory_space<vmem>> -> memref<128xi32, #tpu.memory_space<vmem>>
        %dma_start3A_36 = tpu.memref_slice %arg4[%add3A_27] : memref<323584xi32, #tpu.memory_space<hbm>> -> memref<128xi32, #tpu.memory_space<hbm>>
        tpu.enqueue_dma source(%dma_start3A_36 : memref<128xi32, #tpu.memory_space<hbm>>) target(%dma_start3A_35 : memref<128xi32, #tpu.memory_space<vmem>>) target_semaphore(%run_scoped3A_29 : memref<!tpu.dma_semaphore, #tpu.memory_space<semaphore_mem>>)
        %dma_wait3A = arith.constant 0 : i32
        %dma_wait3A_37 = tpu.memref_slice %arg9[%run_scoped3A, %dma_wait3A] : memref<1x128xi32, #tpu.memory_space<vmem>> -> memref<1x128xi32, #tpu.memory_space<vmem>>
        %dma_wait3A_38 = tpu.memref_squeeze %dma_wait3A_37 : memref<1x128xi32, #tpu.memory_space<vmem>> -> memref<128xi32, #tpu.memory_space<vmem>>
        %dma_wait3A_39 = tpu.memref_slice %arg4[%add3A_27] : memref<323584xi32, #tpu.memory_space<hbm>> -> memref<128xi32, #tpu.memory_space<hbm>>
        %dma_wait3A_40 = arith.constant 0 : i32
        %dma_wait3A_41 = tpu.memref_slice %arg9[%run_scoped3A, %dma_wait3A_40] : memref<1x128xi32, #tpu.memory_space<vmem>> -> memref<1x128xi32, #tpu.memory_space<vmem>>
        %dma_wait3A_42 = tpu.memref_squeeze %dma_wait3A_41 : memref<1x128xi32, #tpu.memory_space<vmem>> -> memref<128xi32, #tpu.memory_space<vmem>>
        %dma_wait3A_43 = tpu.memref_slice %arg4[%add3A_27] : memref<323584xi32, #tpu.memory_space<hbm>> -> memref<128xi32, #tpu.memory_space<hbm>>
        tpu.wait_dma2 semaphore(%run_scoped3A_29 : memref<!tpu.dma_semaphore, #tpu.memory_space<semaphore_mem>>) src(%dma_wait3A_43 : memref<128xi32, #tpu.memory_space<hbm>>) dst(%dma_wait3A_42 : memref<128xi32, #tpu.memory_space<vmem>>)
        tpu.yield
      }) : () -> ()
      "tpu.region"() ({
        %run_scoped3A_29 = tpu.sem_alloc : memref<!tpu.dma_semaphore, #tpu.memory_space<semaphore_mem>>
        %dma_start3A = arith.constant 0 : i32
        %dma_start3A_30 = arith.constant 0 : i32
        %dma_start3A_31 = tpu.memref_slice %arg2[%dma_start3A, %dma_start3A_30] : memref<10240x128xf32, #tpu.memory_space<hbm>> -> memref<10240x128xf32, #tpu.memory_space<hbm>>
        tpu.enqueue_indirect_dma source(%dma_start3A_31 : memref<10240x128xf32, #tpu.memory_space<hbm>>) target(%arg10 : memref<128x128xf32, #tpu.memory_space<vmem>>) offsets(%arg8 : memref<128xi32, #tpu.memory_space<vmem>>) semaphore(%run_scoped3A_29 : memref<!tpu.dma_semaphore, #tpu.memory_space<semaphore_mem>>)
        %dma_wait3A = arith.constant 0 : i32
        %dma_wait3A_32 = arith.constant 0 : i32
        %dma_wait3A_33 = tpu.memref_slice %arg2[%dma_wait3A, %dma_wait3A_32] : memref<10240x128xf32, #tpu.memory_space<hbm>> -> memref<10240x128xf32, #tpu.memory_space<hbm>>
        tpu.wait_indirect_dma semaphore(%run_scoped3A_29 : memref<!tpu.dma_semaphore, #tpu.memory_space<semaphore_mem>>) src(%dma_wait3A_33 : memref<10240x128xf32, #tpu.memory_space<hbm>>) dst(%arg10 : memref<128x128xf32, #tpu.memory_space<vmem>>)
        tpu.yield
      }) : () -> ()
      %run_scoped3A_28 = arith.constant 0 : i32
      "tpu.region"() ({
        %run_scoped3A_29 = tpu.sem_alloc : memref<!tpu.dma_semaphore, #tpu.memory_space<semaphore_mem>>
        %dma_start3A = arith.constant 0 : i32
        %dma_start3A_30 = tpu.memref_slice %arg9[%run_scoped3A_28, %dma_start3A] : memref<1x128xi32, #tpu.memory_space<vmem>> -> memref<1x128xi32, #tpu.memory_space<vmem>>
        %dma_start3A_31 = tpu.memref_squeeze %dma_start3A_30 : memref<1x128xi32, #tpu.memory_space<vmem>> -> memref<128xi32, #tpu.memory_space<vmem>>
        %dma_start3A_32 = arith.constant 0 : i32
        %dma_start3A_33 = arith.constant 0 : i32
        %dma_start3A_34 = tpu.memref_slice %arg11[%dma_start3A_32, %dma_start3A_33] : memref<10240x128xf32, #tpu.memory_space<vmem_shared>> -> memref<10240x128xf32, #tpu.memory_space<vmem_shared>>
        tpu.enqueue_indirect_dma source(%arg10 : memref<128x128xf32, #tpu.memory_space<vmem>>) target(%dma_start3A_34 : memref<10240x128xf32, #tpu.memory_space<vmem_shared>>) offsets(%dma_start3A_31 : memref<128xi32, #tpu.memory_space<vmem>>) semaphore(%run_scoped3A_29 : memref<!tpu.dma_semaphore, #tpu.memory_space<semaphore_mem>>) {add = true}
        %dma_wait3A = arith.constant 0 : i32
        %dma_wait3A_35 = tpu.memref_slice %arg9[%run_scoped3A_28, %dma_wait3A] : memref<1x128xi32, #tpu.memory_space<vmem>> -> memref<1x128xi32, #tpu.memory_space<vmem>>
        %dma_wait3A_36 = tpu.memref_squeeze %dma_wait3A_35 : memref<1x128xi32, #tpu.memory_space<vmem>> -> memref<128xi32, #tpu.memory_space<vmem>>
        %dma_wait3A_37 = arith.constant 0 : i32
        %dma_wait3A_38 = arith.constant 0 : i32
        %dma_wait3A_39 = tpu.memref_slice %arg11[%dma_wait3A_37, %dma_wait3A_38] : memref<10240x128xf32, #tpu.memory_space<vmem_shared>> -> memref<10240x128xf32, #tpu.memory_space<vmem_shared>>
        tpu.wait_indirect_dma semaphore(%run_scoped3A_29 : memref<!tpu.dma_semaphore, #tpu.memory_space<semaphore_mem>>) src(%arg10 : memref<128x128xf32, #tpu.memory_space<vmem>>) dst(%dma_wait3A_39 : memref<10240x128xf32, #tpu.memory_space<vmem_shared>>)
        tpu.yield
      }) : () -> ()
    }
    %scan3A_9 = arith.constant 79 : i32
    %barrier3A_10 = arith.constant 0 : index
    tpu.barrier barrier_id(%barrier3A_10)
    %eq3A = arith.constant 0 : i32
    %eq3A_11 = arith.cmpi eq, %arg0, %eq3A : i32
    %convert_element_type3A = arith.extui %eq3A_11 : i1 to i32
    %cond3A = arith.constant 0 : i32
    %cond3A_12 = arith.cmpi ne, %convert_element_type3A, %cond3A : i32
    scf.if %cond3A_12 {
      %mul3A_18 = arith.constant 640 : i32
      %mul3A_19 = arith.muli %arg1, %mul3A_18 : i32
      %mul3A_20 = arith.constant 640 : i32
      %mul3A_21 = arith.muli %arg1, %mul3A_20 : i32
      "tpu.region"() ({
        %run_scoped3A = tpu.sem_alloc : memref<!tpu.dma_semaphore, #tpu.memory_space<semaphore_mem>>
        %dma_start3A = arith.constant 0 : i32
        %dma_start3A_22 = tpu.memref_slice %arg6[%mul3A_21, %dma_start3A] : memref<10240x128xf32, #tpu.memory_space<hbm>> -> memref<640x128xf32, #tpu.memory_space<hbm>>
        %dma_start3A_23 = arith.constant 0 : i32
        %dma_start3A_24 = tpu.memref_slice %arg11[%mul3A_19, %dma_start3A_23] : memref<10240x128xf32, #tpu.memory_space<vmem_shared>> -> memref<640x128xf32, #tpu.memory_space<vmem_shared>>
        tpu.enqueue_dma source(%dma_start3A_24 : memref<640x128xf32, #tpu.memory_space<vmem_shared>>) target(%dma_start3A_22 : memref<640x128xf32, #tpu.memory_space<hbm>>) target_semaphore(%run_scoped3A : memref<!tpu.dma_semaphore, #tpu.memory_space<semaphore_mem>>)
        %dma_wait3A = arith.constant 0 : i32
        %dma_wait3A_25 = tpu.memref_slice %arg6[%mul3A_21, %dma_wait3A] : memref<10240x128xf32, #tpu.memory_space<hbm>> -> memref<640x128xf32, #tpu.memory_space<hbm>>
        %dma_wait3A_26 = arith.constant 0 : i32
        %dma_wait3A_27 = tpu.memref_slice %arg11[%mul3A_19, %dma_wait3A_26] : memref<10240x128xf32, #tpu.memory_space<vmem_shared>> -> memref<640x128xf32, #tpu.memory_space<vmem_shared>>
        tpu.wait_dma2 semaphore(%run_scoped3A : memref<!tpu.dma_semaphore, #tpu.memory_space<semaphore_mem>>) src(%dma_wait3A_27 : memref<640x128xf32, #tpu.memory_space<vmem_shared>>) dst(%dma_wait3A_25 : memref<640x128xf32, #tpu.memory_space<hbm>>)
        tpu.yield
      }) : () -> ()
    } else {
    }
    %eq3A_13 = arith.constant 1 : i32
    %eq3A_14 = arith.cmpi eq, %arg0, %eq3A_13 : i32
    %convert_element_type3A_15 = arith.extui %eq3A_14 : i1 to i32
    %cond3A_16 = arith.constant 0 : i32
    %cond3A_17 = arith.cmpi ne, %convert_element_type3A_15, %cond3A_16 : i32
    scf.if %cond3A_17 {
      %mul3A_18 = arith.constant 640 : i32
      %mul3A_19 = arith.muli %arg1, %mul3A_18 : i32
      %mul3A_20 = arith.constant 640 : i32
      %mul3A_21 = arith.muli %arg1, %mul3A_20 : i32
      "tpu.region"() ({
        %run_scoped3A = tpu.sem_alloc : memref<!tpu.dma_semaphore, #tpu.memory_space<semaphore_mem>>
        %dma_start3A = arith.constant 0 : i32
        %dma_start3A_22 = tpu.memref_slice %arg7[%mul3A_21, %dma_start3A] : memref<10240x128xf32, #tpu.memory_space<hbm>> -> memref<640x128xf32, #tpu.memory_space<hbm>>
        %dma_start3A_23 = arith.constant 0 : i32
        %dma_start3A_24 = tpu.memref_slice %arg11[%mul3A_19, %dma_start3A_23] : memref<10240x128xf32, #tpu.memory_space<vmem_shared>> -> memref<640x128xf32, #tpu.memory_space<vmem_shared>>
        tpu.enqueue_dma source(%dma_start3A_24 : memref<640x128xf32, #tpu.memory_space<vmem_shared>>) target(%dma_start3A_22 : memref<640x128xf32, #tpu.memory_space<hbm>>) target_semaphore(%run_scoped3A : memref<!tpu.dma_semaphore, #tpu.memory_space<semaphore_mem>>)
        %dma_wait3A = arith.constant 0 : i32
        %dma_wait3A_25 = tpu.memref_slice %arg7[%mul3A_21, %dma_wait3A] : memref<10240x128xf32, #tpu.memory_space<hbm>> -> memref<640x128xf32, #tpu.memory_space<hbm>>
        %dma_wait3A_26 = arith.constant 0 : i32
        %dma_wait3A_27 = tpu.memref_slice %arg11[%mul3A_19, %dma_wait3A_26] : memref<10240x128xf32, #tpu.memory_space<vmem_shared>> -> memref<640x128xf32, #tpu.memory_space<vmem_shared>>
        tpu.wait_dma2 semaphore(%run_scoped3A : memref<!tpu.dma_semaphore, #tpu.memory_space<semaphore_mem>>) src(%dma_wait3A_27 : memref<640x128xf32, #tpu.memory_space<vmem_shared>>) dst(%dma_wait3A_25 : memref<640x128xf32, #tpu.memory_space<hbm>>)
        tpu.yield
      }) : () -> ()
    } else {
    }
    return
  }
}

module attributes {stable_mosaic.version = 14 : i64} {
  func.func @mm_scale_body(%arg0: memref<10240x128xf32, #tpu.memory_space<vmem>>, %arg1: memref<128x128xf32, #tpu.memory_space<vmem>>, %arg2: memref<10240x128xf32, #tpu.memory_space<vmem>>, %arg3: memref<10240x128xf32, #tpu.memory_space<vmem>>, %arg4: memref<10240x128xf32, #tpu.memory_space<vmem>>, %arg5: memref<10240x128xf32, #tpu.memory_space<vmem>>, %arg6: memref<10240x1xf32, #tpu.memory_space<vmem>>) attributes {dimension_semantics = [], scalar_prefetch = 0 : i64, scratch_operands = 0 : i64, tpu.core_type = #tpu.core_type<tc>} {
    %get3A = arith.constant 0 : index
    %get3A_0 = arith.constant 0 : index
    %get3A_1 = vector.load %arg0[%get3A, %get3A_0] : memref<10240x128xf32, #tpu.memory_space<vmem>>, vector<10240x128xf32>
    %get3A_2 = arith.constant 0 : index
    %get3A_3 = arith.constant 0 : index
    %get3A_4 = vector.load %arg1[%get3A_2, %get3A_3] : memref<128x128xf32, #tpu.memory_space<vmem>>, vector<128x128xf32>
    %dot_general3A = arith.constant dense<0.000000e+00> : vector<10240x128xf32>
    %dot_general3A_5 = tpu.matmul %get3A_1, %get3A_4, %dot_general3A {dimension_numbers = #tpu.dot_dimension_numbers<[1], [0], [0], [1], [0, 0, 1, 1], [], []>, transpose_lhs_hint = false} : vector<10240x128xf32>, vector<128x128xf32>, vector<10240x128xf32> -> vector<10240x128xf32>
    %swap3A = arith.constant 0 : index
    %swap3A_6 = arith.constant 0 : index
    %swap3A_7 = vector.load %arg4[%swap3A, %swap3A_6] : memref<10240x128xf32, #tpu.memory_space<vmem>>, vector<10240x128xf32>
    tpu.vector_store %arg4[%swap3A, %swap3A_6], %dot_general3A_5 {strides = array<i32>} : memref<10240x128xf32, #tpu.memory_space<vmem>>, vector<10240x128xf32>,
    %get3A_8 = arith.constant 0 : index
    %get3A_9 = arith.constant 0 : index
    %get3A_10 = vector.load %arg2[%get3A_8, %get3A_9] : memref<10240x128xf32, #tpu.memory_space<vmem>>, vector<10240x1xf32>
    %get3A_11 = arith.constant 0 : index
    %get3A_12 = arith.constant 0 : index
    %get3A_13 = vector.load %arg3[%get3A_11, %get3A_12] : memref<10240x128xf32, #tpu.memory_space<vmem>>, vector<10240x1xf32>
    %add3A = arith.addf %get3A_10, %get3A_13 : vector<10240x1xf32>
    %swap3A_14 = arith.constant 0 : index
    %swap3A_15 = arith.constant 0 : index
    %swap3A_16 = vector.load %arg6[%swap3A_14, %swap3A_15] : memref<10240x1xf32, #tpu.memory_space<vmem>>, vector<10240x1xf32>
    tpu.vector_store %arg6[%swap3A_14, %swap3A_15], %add3A {strides = array<i32>} : memref<10240x1xf32, #tpu.memory_space<vmem>>, vector<10240x1xf32>,
    %max3A = arith.constant 1.000000e+00 : f32
    %max3A_17 = vector.broadcast %max3A : f32 to vector<10240x1xf32>
    %max3A_18 = arith.maximumf %add3A, %max3A_17 : vector<10240x1xf32>
    %rsqrt3A = math.rsqrt %max3A_18 : vector<10240x1xf32>
    %mul3A = vector.broadcast %rsqrt3A : vector<10240x1xf32> to vector<10240x128xf32>
    %mul3A_19 = arith.mulf %dot_general3A_5, %mul3A : vector<10240x128xf32>
    %swap3A_20 = arith.constant 0 : index
    %swap3A_21 = arith.constant 0 : index
    %swap3A_22 = vector.load %arg5[%swap3A_20, %swap3A_21] : memref<10240x128xf32, #tpu.memory_space<vmem>>, vector<10240x128xf32>
    tpu.vector_store %arg5[%swap3A_20, %swap3A_21], %mul3A_19 {strides = array<i32>} : memref<10240x128xf32, #tpu.memory_space<vmem>>, vector<10240x128xf32>,
    return
  }
}

module attributes {stable_mosaic.version = 14 : i64} {
  func.func @layer2_body(%arg0: memref<10240x1xf32, #tpu.memory_space<vmem>>, %arg1: memref<10240x128xf32, #tpu.memory_space<vmem>>, %arg2: memref<10240x128xf32, #tpu.memory_space<vmem>>, %arg3: memref<10240x128xf32, #tpu.memory_space<vmem>>, %arg4: memref<128x128xf32, #tpu.memory_space<vmem>>, %arg5: memref<10240x128xf32, #tpu.memory_space<vmem>>, %arg6: memref<10240x128xf32, #tpu.memory_space<vmem>>) attributes {dimension_semantics = [], scalar_prefetch = 0 : i64, scratch_operands = 0 : i64, tpu.core_type = #tpu.core_type<tc>} {
    %get3A = arith.constant 0 : index
    %get3A_0 = arith.constant 0 : index
    %get3A_1 = vector.load %arg0[%get3A, %get3A_0] : memref<10240x1xf32, #tpu.memory_space<vmem>>, vector<10240x1xf32>
    %get3A_2 = arith.constant 0 : index
    %get3A_3 = arith.constant 0 : index
    %get3A_4 = vector.load %arg2[%get3A_2, %get3A_3] : memref<10240x128xf32, #tpu.memory_space<vmem>>, vector<10240x128xf32>
    %get3A_5 = arith.constant 0 : index
    %get3A_6 = arith.constant 0 : index
    %get3A_7 = vector.load %arg3[%get3A_5, %get3A_6] : memref<10240x128xf32, #tpu.memory_space<vmem>>, vector<10240x128xf32>
    %add3A = arith.addf %get3A_4, %get3A_7 : vector<10240x128xf32>
    %gt3A = arith.constant 0.000000e+00 : f32
    %gt3A_8 = vector.broadcast %gt3A : f32 to vector<10240x1xf32>
    %gt3A_9 = arith.cmpf ogt, %get3A_1, %gt3A_8 : vector<10240x1xf32>
    %max3A = arith.constant 0.000000e+00 : f32
    %max3A_10 = vector.broadcast %max3A : f32 to vector<10240x128xf32>
    %max3A_11 = arith.maximumf %add3A, %max3A_10 : vector<10240x128xf32>
    %get3A_12 = arith.constant 0 : index
    %get3A_13 = arith.constant 0 : index
    %get3A_14 = vector.load %arg1[%get3A_12, %get3A_13] : memref<10240x128xf32, #tpu.memory_space<vmem>>, vector<10240x128xf32>
    %broadcast_in_dim3A = vector.shape_cast %gt3A_9 : vector<10240x1xi1> to vector<10240x1xi1>
    %broadcast_in_dim3A_15 = vector.broadcast %broadcast_in_dim3A : vector<10240x1xi1> to vector<10240x128xi1>
    %select_n3A = arith.select %broadcast_in_dim3A_15, %max3A_11, %get3A_14 : vector<10240x128xi1>, vector<10240x128xf32>
    %max3A_16 = arith.constant 0.000000e+00 : f32
    %max3A_17 = vector.broadcast %max3A_16 : f32 to vector<10240x128xf32>
    %max3A_18 = arith.maximumf %select_n3A, %max3A_17 : vector<10240x128xf32>
    %get3A_19 = arith.constant 0 : index
    %get3A_20 = arith.constant 0 : index
    %get3A_21 = vector.load %arg4[%get3A_19, %get3A_20] : memref<128x128xf32, #tpu.memory_space<vmem>>, vector<128x128xf32>
    %dot_general3A = arith.constant dense<0.000000e+00> : vector<10240x128xf32>
    %dot_general3A_22 = tpu.matmul %max3A_18, %get3A_21, %dot_general3A {dimension_numbers = #tpu.dot_dimension_numbers<[1], [0], [0], [1], [0, 0, 1, 1], [], []>, transpose_lhs_hint = false} : vector<10240x128xf32>, vector<128x128xf32>, vector<10240x128xf32> -> vector<10240x128xf32>
    %swap3A = arith.constant 0 : index
    %swap3A_23 = arith.constant 0 : index
    %swap3A_24 = vector.load %arg5[%swap3A, %swap3A_23] : memref<10240x128xf32, #tpu.memory_space<vmem>>, vector<10240x128xf32>
    tpu.vector_store %arg5[%swap3A, %swap3A_23], %dot_general3A_22 {strides = array<i32>} : memref<10240x128xf32, #tpu.memory_space<vmem>>, vector<10240x128xf32>,
    %max3A_25 = arith.constant 1.000000e+00 : f32
    %max3A_26 = vector.broadcast %max3A_25 : f32 to vector<10240x1xf32>
    %max3A_27 = arith.maximumf %get3A_1, %max3A_26 : vector<10240x1xf32>
    %rsqrt3A = math.rsqrt %max3A_27 : vector<10240x1xf32>
    %mul3A = vector.broadcast %rsqrt3A : vector<10240x1xf32> to vector<10240x128xf32>
    %mul3A_28 = arith.mulf %dot_general3A_22, %mul3A : vector<10240x128xf32>
    %swap3A_29 = arith.constant 0 : index
    %swap3A_30 = arith.constant 0 : index
    %swap3A_31 = vector.load %arg6[%swap3A_29, %swap3A_30] : memref<10240x128xf32, #tpu.memory_space<vmem>>, vector<10240x128xf32>
    tpu.vector_store %arg6[%swap3A_29, %swap3A_30], %mul3A_28 {strides = array<i32>} : memref<10240x128xf32, #tpu.memory_space<vmem>>, vector<10240x128xf32>,
    return
  }
}

module attributes {stable_mosaic.version = 14 : i64} {
  func.func @final_body(%arg0: memref<10240x1xf32, #tpu.memory_space<vmem>>, %arg1: memref<10240x128xf32, #tpu.memory_space<vmem>>, %arg2: memref<10240x128xf32, #tpu.memory_space<vmem>>, %arg3: memref<10240x128xf32, #tpu.memory_space<vmem>>, %arg4: memref<10240x128xf32, #tpu.memory_space<vmem>>) attributes {dimension_semantics = [], scalar_prefetch = 0 : i64, scratch_operands = 0 : i64, tpu.core_type = #tpu.core_type<tc>} {
    %get3A = arith.constant 0 : index
    %get3A_0 = arith.constant 0 : index
    %get3A_1 = vector.load %arg0[%get3A, %get3A_0] : memref<10240x1xf32, #tpu.memory_space<vmem>>, vector<10240x1xf32>
    %get3A_2 = arith.constant 0 : index
    %get3A_3 = arith.constant 0 : index
    %get3A_4 = vector.load %arg2[%get3A_2, %get3A_3] : memref<10240x128xf32, #tpu.memory_space<vmem>>, vector<10240x128xf32>
    %get3A_5 = arith.constant 0 : index
    %get3A_6 = arith.constant 0 : index
    %get3A_7 = vector.load %arg3[%get3A_5, %get3A_6] : memref<10240x128xf32, #tpu.memory_space<vmem>>, vector<10240x128xf32>
    %add3A = arith.addf %get3A_4, %get3A_7 : vector<10240x128xf32>
    %gt3A = arith.constant 0.000000e+00 : f32
    %gt3A_8 = vector.broadcast %gt3A : f32 to vector<10240x1xf32>
    %gt3A_9 = arith.cmpf ogt, %get3A_1, %gt3A_8 : vector<10240x1xf32>
    %max3A = arith.constant 0.000000e+00 : f32
    %max3A_10 = vector.broadcast %max3A : f32 to vector<10240x128xf32>
    %max3A_11 = arith.maximumf %add3A, %max3A_10 : vector<10240x128xf32>
    %get3A_12 = arith.constant 0 : index
    %get3A_13 = arith.constant 0 : index
    %get3A_14 = vector.load %arg1[%get3A_12, %get3A_13] : memref<10240x128xf32, #tpu.memory_space<vmem>>, vector<10240x128xf32>
    %broadcast_in_dim3A = vector.shape_cast %gt3A_9 : vector<10240x1xi1> to vector<10240x1xi1>
    %broadcast_in_dim3A_15 = vector.broadcast %broadcast_in_dim3A : vector<10240x1xi1> to vector<10240x128xi1>
    %select_n3A = arith.select %broadcast_in_dim3A_15, %max3A_11, %get3A_14 : vector<10240x128xi1>, vector<10240x128xf32>
    %swap3A = arith.constant 0 : index
    %swap3A_16 = arith.constant 0 : index
    %swap3A_17 = vector.load %arg4[%swap3A, %swap3A_16] : memref<10240x128xf32, #tpu.memory_space<vmem>>, vector<10240x128xf32>
    tpu.vector_store %arg4[%swap3A, %swap3A_16], %select_n3A {strides = array<i32>} : memref<10240x128xf32, #tpu.memory_space<vmem>>, vector<10240x128xf32>,
    return
  }
}

</mosaic_0001>

<sc_bundles>
// kernel: kernel.11.cloned.1.call-start
scs
__scs_entry_jumppad:
0x0: {  	(pc) =	sbr.rel $0x88, $3  }
0x1: {  	(tag) =	ssettag $0x0;
	lr =	simm.s32 $0x1  }
0x2: {  	[smem:$0x3F9D] =	sst lr;
	_ =	strace $0xD0000000  }
0x3: {  	_ = 	snop  }
0x4: {  	_ = 	snop  }
0x5: {  	_ = 	snop  }
0x6: {  	_ = 	snop  }
0x7: {  	_ = 	snop  }
__scs_overlays_trampoline_lowered:
0x8: {  	[smem:$0x3FAC] =	sst s0  }
0x9: {  	[smem:$0x3FAD] =	sst s1  }
0xa: {  	[smem:$0x3FAE] =	sst s2  }
0xb: {  	[smem:$0x3FAF] =	sst s3  }
0xc: {  	[smem:$0x3FB0] =	sst s4  }
0xd: {  	[smem:$0x3FB1] =	sst s5  }
0xe: {  	[smem:$0x3FB2] =	sst s6  }
0xf: {  	[smem:$0x3FB3] =	sst s7  }
0x10: {  	[smem:$0x3FB4] =	sst s8  }
0x11: {  	[smem:$0x3FB5] =	sst s9;
	s0 =	simm.s32 @!p0 $0x0  }
0x12: {  	s1 =	sld [smem:$0x3F9B];
	s0 =	simm.s32 @p0 $0x1  }
0x13: {  	[smem:$0x3FB6] =	sst s0;
	s0 =	simm.s32 @!p1 $0x0  }
0x14: {  	s2 =	sld [smem:$0x3F9A];
	s0 =	simm.s32 @p1 $0x1  }
0x15: {  	[smem:$0x3FB7] =	sst s0;
	s0 =	simm.s32 @!p2 $0x0  }
0x16: {  	s3 =	sld [smem:$0x3FDB];
	s0 =	simm.s32 @p2 $0x1  }
0x17: {  	s4 =	simm.s32 $0x1BF5;
	[smem:$0x3FB9] =	sst s0  }
0x18: {  	s0 =	sld [smem:$0x3F9C];
	_ =	swait.ge [sflag:s4], $0x0  }
0x19: {  	s7 =	sld [smem:$0x3F9D]  }
0x1a: {  	s8 =	sadd.s32 $0xFFFFE003, lr  }
0x1b: {  	s9 =	sadd.s32 $0xFFFFFEF7, lr;
	s5 =	simm.s32 $0xFFFFFFFF;
	p2 =	slt.u32 s8, $0xFFFFF086  }
0x1c: {  	p1 =	slt.u32 s9, $0xF7A;
	s5 =	simm.s32 @!p2 $0x0  }
0x1d: {  	s5 =	simm.s32 @p1 $0x1;
	p0 =	seq.s32 s7, s2  }
0x1e: {  	s7 =	smul.u32 @!p0 $0xF7A, s2;
	p2 =	seq.s32 @!p0 s5, $0x0  }
0x1f: {  	s9 =	smul.u32 $0xF7A, s1;
	s8 =	simm.s32 @!p0 $0x1BF5;
	p2 =	por !p2, p0  }
0x20: {  	[sflag:s8] =	ssyncset.s32 @!p0 $0xFFFFF086;
	s6 =	sadd.s32 @!p0 s3, s7;
	s7 =	simm.s32 @!p0 $0x108  }
0x21: {  	s3 =	sadd.s32 s3, s9;
	s6 =	sadd.s32 @!p0 $0x88, s6;
	s7 =	simm.s32 @p2 $0x1082  }
0x22: {  	[simem:s7], [sflag:s8] =	dma.local @!p0 [hbm:s6], $0xF7A  }
0x23: {  	s9 =	sor.u32 $0xD0000000, s2;
	s6 =	simm.s32 $0x108;
	_ =	swait.ge @!p0 [sflag:s8], $0x0  }
0x24: {  	s3 =	sadd.s32 $0x88, s3;
	s6 =	simm.s32 @!p1 $0x1082;
	[sflag:s4] =	ssyncset.s32 $0xFFFFF086  }
0x25: {  	[simem:s6], [sflag:s4] =	dma.local [hbm:s3], $0xF7A  }
0x26: {  	[smem:$0x3F9D] =	sst s1;
	(tag) =	ssettag s2;
	_ =	strace s9  }
0x27: {  	s1 =	sld [smem:$0x3FAD]  }
0x28: {  	s2 =	sld [smem:$0x3FAE]  }
0x29: {  	s4 =	sld [smem:$0x3FB0]  }
0x2a: {  	p0 =	seq.s32 s5, $0x0;
	s5 =	sld [smem:$0x3FB1]  }
0x2b: {  	s6 =	sld [smem:$0x3FB2]  }
0x2c: {  	s7 =	sld [smem:$0x3FB3]  }
0x2d: {  	s3 =	simm.s32 $0x108;
	s8 =	sld [smem:$0x3FB4]  }
0x2e: {  	s3 =	simm.s32 @!p0 $0x1082;
	s9 =	sld [smem:$0x3FB5]  }
0x2f: {  	lr =	sadd.s32 s0, s3;
	s0 =	sld [smem:$0x3FAC]  }
0x30: {  	s3 =	sld [smem:$0x3FAF]  }
0x31: {  	[smem:$0x3FB8] =	sst s10  }
0x32: {  	s10 =	sld [smem:$0x3FB6];
	_ =	sdelay $0x3  }
0x33: {  	p0 =	seq.s32 s10, $0x1;
	s10 =	sld [smem:$0x3FB8];
	_ =	sdelay $0x3  }
0x34: {  	[smem:$0x3FB8] =	sst s10  }
0x35: {  	s10 =	sld [smem:$0x3FB7];
	_ =	sdelay $0x3  }
0x36: {  	p1 =	seq.s32 s10, $0x1;
	s10 =	sld [smem:$0x3FB8];
	_ =	sdelay $0x3  }
0x37: {  	[smem:$0x3FB8] =	sst s10  }
0x38: {  	s10 =	sld [smem:$0x3FB9]  }
0x39: {  	_ = 	snop;
	(pc) =	sbr.ind lr, $3  }
0x3a: {  	_ = 	snop  }
0x3b: {  	_ = 	snop  }
0x3c: {  	p2 =	seq.s32 s10, $0x1;
	s10 =	sld [smem:$0x3FB8]  }
0x3d: {  	_ =	shalt  }
0x3e: {  	_ =	shalt  }
0x3f: {  	_ =	shalt  }
0x40: {  	_ =	shalt  }
0x41: {  	_ =	shalt  }
0x42: {  	_ =	shalt  }
0x43: {  	_ =	shalt  }
0x44: {  	_ =	shalt  }
0x45: {  	_ =	shalt  }
0x46: {  	_ =	shalt  }
0x47: {  	_ =	shalt  }
0x48: {  	_ =	shalt  }
0x49: {  	_ =	shalt  }
0x4a: {  	_ =	shalt  }
0x4b: {  	_ =	shalt  }
0x4c: {  	_ =	shalt  }
0x4d: {  	_ =	shalt  }
0x4e: {  	_ =	shalt  }
0x4f: {  	_ =	shalt  }
0x50: {  	_ =	shalt  }
0x51: {  	_ =	shalt  }
0x52: {  	_ =	shalt  }
0x53: {  	_ =	shalt  }
0x54: {  	_ =	shalt  }
0x55: {  	_ =	shalt  }
0x56: {  	_ =	shalt  }
0x57: {  	_ =	shalt  }
0x58: {  	_ =	shalt  }
0x59: {  	_ =	shalt  }
0x5a: {  	_ =	shalt  }
0x5b: {  	_ =	shalt  }
0x5c: {  	_ =	shalt  }
0x5d: {  	_ =	shalt  }
0x5e: {  	_ =	shalt  }
0x5f: {  	_ =	shalt  }
0x60: {  	_ =	shalt  }
0x61: {  	_ =	shalt  }
0x62: {  	_ =	shalt  }
0x63: {  	_ =	shalt  }
0x64: {  	_ =	shalt  }
0x65: {  	_ =	shalt  }
0x66: {  	_ =	shalt  }
0x67: {  	_ =	shalt  }
0x68: {  	_ =	shalt  }
0x69: {  	_ =	shalt  }
0x6a: {  	_ =	shalt  }
0x6b: {  	_ =	shalt  }
0x6c: {  	_ =	shalt  }
0x6d: {  	_ =	shalt  }
0x6e: {  	_ =	shalt  }
0x6f: {  	_ =	shalt  }
0x70: {  	_ =	shalt  }
0x71: {  	_ =	shalt  }
0x72: {  	_ =	shalt  }
0x73: {  	_ =	shalt  }
0x74: {  	_ =	shalt  }
0x75: {  	_ =	shalt  }
0x76: {  	_ =	shalt  }
0x77: {  	_ =	shalt  }
0x78: {  	_ =	shalt  }
0x79: {  	_ =	shalt  }
0x7a: {  	_ =	shalt  }
0x7b: {  	_ =	shalt  }
0x7c: {  	_ =	shalt  }
0x7d: {  	_ =	shalt  }
0x7e: {  	_ =	shalt  }
0x7f: {  	_ =	shalt  }
0x80: {  	_ =	shalt  }
0x81: {  	_ =	shalt  }
0x82: {  	_ =	shalt  }
0x83: {  	_ =	shalt  }
0x84: {  	_ =	shalt  }
0x85: {  	_ =	shalt  }
0x86: {  	_ =	shalt  }
0x87: {  	_ =	shalt  }
.Lfunc_end0:
.L_simem_size_0:
called_computation.1_lowered:
.L_overlay_start_0:
0x88: {  	s2 =	sld [smem:$0x3FD9]  }
0x89: {  	s3 =	sld [smem:$0x3FFE];
	_ =	sdelay $0x1  }
0x8a: {  	s1 =	srdreg.scid  }
0x8b: {  	s0 =	sand.u32 $0x1, s1  }
0x8c: {  	s17 =	sshll.u32 s0, $0xA;
	s2 =	sadd.s32 s3, s2  }
0x8d: {  	s2 =	sadd.s32 s2, s17  }
0x8e: {  	[smem:$0x3FC4] =	sst s2  }
0x8f: {  	_ = 	snop  }
0x90: {  	s2 =	sld [smem:$0x3FD0];
	(tm) =	ssettm $0x1  }
0x91: {  	s18 =	sld [smem:$0x3FFB];
	_ =	sdelay $0x3  }
0x92: {  	_ =	strace s18  }
0x93: {  	s3 =	sld [smem:$0x3FFC];
	_ =	sdelay $0x3  }
0x94: {  	_ =	strace s3  }
0x95: {  	s3 =	sld [smem:$0x3FFD];
	_ =	sdelay $0x3  }
0x96: {  	_ =	strace s3  }
0x97: {  	_ =	strace $0x8FFFFFFF  }
0x98: {  	s19 =	sld [smem:$0x3FDB];
	_ =	sdelay $0x1  }
0x99: {  	s4 =	simm.s32 $_scs_section_size  }
0x9a: {  	s5 =	simm.s32 $_size__tile_overlayer_lowered;
	s6 =	simm.s32 $_tile_overlayer_lowered  }
0x9b: {  	s22 =	simm.s32 $0x1BFF;
	s21 =	sshll.u32 s6, $0x1;
	s3 =	sadd.s32 s4, s19  }
0x9c: {  	s7 =	simm.s32 $0x0;
	s20 =	sshll.u32 s5, $0x1;
	s5 =	sadd.s32 s21, s3  }
0x9d: {  	[timem:s7], [sflag:s22] =	dma.local [hbm:s5], s20  }
0x9e: {  	_ =	swait.ge [sflag:s22], s20  }
0x9f: {  	s4 =	ssub.s32 $0x0, s20;
	[sflag:s22] =	ssyncset.done $0x0  }
0xa0: {  	[sflag:s22] =	ssyncadd.s32 s4;
	_ =	sdelay $0x1  }
0xa1: {  	s23 =	simm.s32 $0x1B8B  }
0xa2: {  	_ =	swait.ge [sflag:s23], $0x1  }
0xa3: {  	[sflag:s23] =	ssyncset.done $0x0  }
0xa4: {  	s25 =	simm.s32 $0x1B8E;
	s24 =	sld [smem:$0x3FFE];
	[sflag:s23] =	ssyncadd.s32 $0xFFFFFFFF  }
0xa5: {  	s26 =	simm.s32 $execute0_lowered;
	[smem:$0x3FD2] =	sst s25  }
0xa6: {  	s5 =	sshll.u32 s26, $0x1;
	_ =	strace $0x80000049;
	[dreg:$0x1] =	wrdreg $0xFFFFFFFF  }
0xa7: {  	s28 =	simm.s32 $_size_execute0_lowered;
	s3 =	sadd.s32 s3, s5;
	[dreg:$0x0] =	wrdreg $0x0  }
0xa8: {  	s5 =	sshll.u32 s28, $0x1;
	[dreg:$0x2] =	wrdreg s3  }
0xa9: {  	[dreg:$0x3] =	wrdreg s5  }
0xaa: {  	[dreg:$0x4] =	wrdreg $0xC0  }
0xab: {  	_ =	task [dreg:s7], $0x5FFFF  }
0xac: {  	[dreg:$0x1] =	wrdreg $0xFFFFFFFF  }
0xad: {  	[dreg:$0x0] =	wrdreg $0x60  }
0xae: {  	[dreg:$0x2] =	wrdreg s24  }
0xaf: {  	[dreg:$0x3] =	wrdreg s2  }
0xb0: {  	[dreg:$0x4] =	wrdreg $0x41000  }
0xb1: {  	[dreg:$0x5] =	wrdreg $0x9  }
0xb2: {  	_ =	task.clear_ibuf [dreg:s7], $0x6FFFF;
	_ =	strace $0x90000049  }
0xb3: {  	s29 =	simm.s32 $0x9;
	_ =	strace $0x8000004B  }
0xb4: {  	_ =	swait.ge [sflag:s29], $0x1  }
0xb5: {  	[sflag:s29] =	ssyncadd.s32 $0xFFFFFFFF  }
0xb6: {  	_ =	strace $0x9000004B  }
0xb7: {  	_ =	sfence  }
0xb8: {  	s30 =	sld [smem:$0x0];
	_ =	sdelay $0x2  }
0xb9: {  	s31 =	sshll.u32 s1, $0xD;
	s1 =	sshrl.u32 s1, $0x2  }
0xba: {  	s3 =	sand.u32 $0x4000, s31;
	s1 =	sadd.s32 s1, s30  }
0xbb: {  	s0 =	sor.u32 s3, s0;
	s1 =	sshll.u32 s1, $0x11  }
0xbc: {  	s0 =	sor.u32 s1, s0  }
0xbd: {  	s0 =	sadd.s32 $0x8F2B, s0  }
0xbe: {  	[sflag:s0] =	ssyncadd.remote.s32 $0x1  }
0xbf: {  	_ =	sfence.sel $0xFFFF  }
0xc0: {  	[dreg:$0x0] =	wrdreg $0xFFFFFFFF;
	(pc) =	sbr.abs _section_cstart, $3  }
0xc1: {  	[dreg:$0x1] =	wrdreg $0xFFFFFFFF  }
0xc2: {  	_ =	task.clear_ibuf [dreg:s7], $0x2FFFF;
	_ =	strace $0x9FFFFFFF  }
0xc3: {  	(tm) =	ssettm $0x7FFFFFFF  }
tec
execute0_lowered:
.L_overlay_start_1:
0x0: {  	(tag) =	ssettag $0x1  }
0x1: {  	s12 =	rddreg [dreg:$0x0]  }
0x2: {  	s13 =	rddreg [dreg:$0x1]  }
0x3: {  	s1 =	rddreg [dreg:$0x2]  }
0x4: {  	s0 =	rddreg [dreg:$0x3]  }
0x5: {  	s2 =	simm.s32 $0x0;
	s3 =	srdreg.scid;
	s17 =	simm.s32 $0x5D400  }
0x6: {  	s20 =	simm.s32 $0x0;
	[smem:$0x7FF] =	sst s2;
	s7 =	sand.u32 $0x1, s3  }
0x7: {  	s3 =	stileid.u32;
	s4 =	sadd.s32 $0x2E00, s12;
	s14 =	smul.u32 $0x4F00, s7  }
0x8: {  	s5 =	sadd.s32 $0x2600, s12;
	_ =	strace $0x8000004A;
	s8 =	smul.u32 $0x50000, s3  }
0x9: {  	s6 =	ssub.s32 $0x2, s7;
	p0 =	seq.s32 s7, $0x1;
	s16 =	smul.u32 $0x2800, s3  }
0xa: {  	s18 =	smul.u32 $0x4F0, s3;
	s31 =	sshll.u32 s3, $0x6;
	s9 =	sshrl.u32 s6, $0x1  }
0xb: {  	s17 =	simm.s32 @!p0 $0x2AE00;
	s15 =	sadd.s32 s14, s12;
	s9 =	ssub.s32 s6, s9  }
0xc: {  	s29 =	sshrl.u32 s8, $0x2;
	s12 =	sadd.s32 s17, s12;
	s13 =	sadd.s32 s14, s13  }
0xd: {  	s17 =	simm.s32 $0x80;
	s6 =	sadd.s32 s29, s1;
	s7 =	smax.u32 s9, $0x1  }
0xe: {  	s12 =	sadd.s32 s12, s16;
	s30 =	sadd.s32 s18, s15;
	s13 =	sadd.s32 s18, s13  }
0xf: {  	s15 =	simm.s32 $0x100;
	s16 =	simm.s32 $0x1;
	s18 =	sor.u32 $0x1C01, s31  }
0x10: {  	s8 =	sadd.s32 $0x4000, s6;
	s9 =	sadd.s32 $0x8000, s6;
	s10 =	sadd.s32 $0xC000, s6  }
0x11: {  	s11 =	sadd.s32 $0x10000, s6;
	s14 =	sadd.s32 $0x53600, s30;
	s19 =	sshrl.u32 s6, $0x3  }
.LBB2_1:
0x12: {  	[tilespmem:s15], [sflag:$0x1] =	stream.linear.gather [hbm4b:s5+s2], $0x4000, $0x38;
	[tilespmem:$0x18100] =	vst v63  }
0x13: {  	_ =	swait.ge [sflag:s16], $0x4000  }
0x14: {  	[sflag:s16] =	ssyncset.done $0x0  }
0x15: {  	[sflag:s16] =	ssyncadd.s32 $0xFFFFC000  }
0x16: {  	[spmem:s6] =	stream.linear.scatter [tilespmem:s15], [sflag:$0x1], $0x4000, $0x38;
	[tilespmem:$0x18100] =	vst v63  }
0x17: {  	_ =	swait.ge [sflag:s16], $0x4000  }
0x18: {  	[sflag:s16] =	ssyncset.done $0x0  }
0x19: {  	[sflag:s16] =	ssyncadd.s32 $0xFFFFC000  }
0x1a: {  	[spmem:s8] =	stream.linear.scatter [tilespmem:s15], [sflag:$0x1], $0x4000, $0x38;
	[tilespmem:$0x18100] =	vst v63  }
0x1b: {  	_ =	swait.ge [sflag:s16], $0x4000  }
0x1c: {  	[sflag:s16] =	ssyncset.done $0x0  }
0x1d: {  	[sflag:s16] =	ssyncadd.s32 $0xFFFFC000  }
0x1e: {  	[spmem:s9] =	stream.linear.scatter [tilespmem:s15], [sflag:$0x1], $0x4000, $0x38;
	[tilespmem:$0x18100] =	vst v63  }
0x1f: {  	_ =	swait.ge [sflag:s16], $0x4000  }
0x20: {  	[sflag:s16] =	ssyncset.done $0x0  }
0x21: {  	[sflag:s16] =	ssyncadd.s32 $0xFFFFC000  }
0x22: {  	[spmem:s10] =	stream.linear.scatter [tilespmem:s15], [sflag:$0x1], $0x4000, $0x38;
	[tilespmem:$0x18100] =	vst v63  }
0x23: {  	_ =	swait.ge [sflag:s16], $0x4000  }
0x24: {  	[sflag:s16] =	ssyncset.done $0x0  }
0x25: {  	[sflag:s16] =	ssyncadd.s32 $0xFFFFC000  }
0x26: {  	[spmem:s11] =	stream.linear.scatter [tilespmem:s15], [sflag:$0x1], $0x4000, $0x38;
	[tilespmem:$0x18100] =	vst v63  }
0x27: {  	_ =	swait.ge [sflag:s16], $0x4000  }
0x28: {  	[sflag:s16] =	ssyncset.done $0x0  }
0x29: {  	[sflag:s16] =	ssyncadd.s32 $0xFFFFC000  }
0x2a: {  	s21 =	sadd.s32 $0x0, s14;
	[bflag:$0x0] =	sbarrier.arrive $0xFFFF  }
0x2b: {  	[tilespmem:s2], [sflag:$0x1] =	stream.linear.gather [hbm4b:s21+s2], $0x80, $0x38;
	[tilespmem:$0x18100] =	vst v63  }
0x2c: {  	_ =	swait.ge [sflag:s16], $0x80  }
0x2d: {  	[sflag:s16] =	ssyncset.done $0x0  }
0x2e: {  	s31 =	sadd.s32 $0x0, s13;
	[sflag:s16] =	ssyncadd.s32 $0xFFFFFF80  }
0x2f: {  	[tilespmem:s17], [sflag:$0x1] =	stream.linear.gather [hbm4b:s31+s2], $0x80, $0x38;
	[tilespmem:$0x18100] =	vst v63  }
0x30: {  	_ =	swait.ge [sflag:s16], $0x80  }
0x31: {  	[sflag:s16] =	ssyncset.done $0x0  }
0x32: {  	[sflag:s16] =	ssyncadd.s32 $0xFFFFFF80  }
0x33: {  	[tilespmem:s15], [sflag:$0x1] =	stream.indirect.gather [hbm4b:s4+s17], $0x80, s2, s17, $0xb8;
	[tilespmem:$0x18100] =	vst v63  }
0x34: {  	_ =	swait.ge [sflag:s16], $0x4000  }
0x35: {  	[sflag:s16] =	ssyncset.done $0x0  }
0x36: {  	[sflag:s16] =	ssyncadd.s32 $0xFFFFC000  }
0x37: {  	[spmem:s1] =	stream.indirect.scatter.add.f32 [tilespmem:s15], [sflag:$0x1], $0x80, s17, s17, $0xb8;
	[tilespmem:$0x18100] =	vst v63  }
0x38: {  	_ =	swait.ge [sflag:s16], $0x4000  }
0x39: {  	s22 =	simm.s32 $0x20;
	s21 =	simm.s32 $0x10;
	[sflag:s16] =	ssyncset.done $0x0  }
.LBB2_2:
0x3a: {  	s23 =	sadd.s32 s21, s14  }
0x3b: {  	[sflag:s16] =	ssyncadd.s32 $0xFFFFC000;
	s24 =	smov.u32 s22;
	s25 =	sadd.s32 $0x10, s22  }
0x3c: {  	[tilespmem:s2], [sflag:$0x1] =	stream.linear.gather [hbm4b:s23+s2], $0x80, $0x38;
	[tilespmem:$0x18100] =	vst v63  }
0x3d: {  	p0 =	sne.s32 s22, $0x4E0;
	_ =	swait.ge [sflag:s16], $0x80  }
0x3e: {  	[sflag:s16] =	ssyncset.done $0x0  }
0x3f: {  	s22 =	sadd.s32 s21, s13;
	s21 =	smov.u32 s24;
	[sflag:s16] =	ssyncadd.s32 $0xFFFFFF80  }
0x40: {  	[tilespmem:s17], [sflag:$0x1] =	stream.linear.gather [hbm4b:s22+s2], $0x80, $0x38;
	[tilespmem:$0x18100] =	vst v63  }
0x41: {  	_ =	swait.ge [sflag:s16], $0x80  }
0x42: {  	[sflag:s16] =	ssyncset.done $0x0  }
0x43: {  	[sflag:s16] =	ssyncadd.s32 $0xFFFFFF80  }
0x44: {  	[tilespmem:s15], [sflag:$0x1] =	stream.indirect.gather [hbm4b:s4+s17], $0x80, s2, s17, $0xb8;
	[tilespmem:$0x18100] =	vst v63  }
0x45: {  	_ =	swait.ge [sflag:s16], $0x4000  }
.Ltmp0:
0x46: {  	[sflag:s16] =	ssyncset.done $0x0;
	(pc) =	sbr.rel @p0 .LBB2_2-.Ltmp0, $4  }
0x47: {  	[sflag:s16] =	ssyncadd.s32 $0xFFFFC000  }
0x48: {  	[spmem:s1] =	stream.indirect.scatter.add.f32 [tilespmem:s15], [sflag:$0x1], $0x80, s17, s17, $0xb8;
	[tilespmem:$0x18100] =	vst v63  }
0x49: {  	_ =	swait.ge [sflag:s16], $0x4000  }
0x4a: {  	s22 =	smov.u32 s25;
	[sflag:s16] =	ssyncset.done $0x0  }
0x4b: {  	s22 =	sadd.s32 s21, s14;
	[sflag:s16] =	ssyncadd.s32 $0xFFFFC000  }
0x4c: {  	[tilespmem:s2], [sflag:$0x1] =	stream.linear.gather [hbm4b:s22+s2], $0x80, $0x38;
	[tilespmem:$0x18100] =	vst v63  }
0x4d: {  	_ =	swait.ge [sflag:s16], $0x80  }
0x4e: {  	[sflag:s16] =	ssyncset.done $0x0  }
0x4f: {  	s31 =	sadd.s32 s21, s13;
	[sflag:s16] =	ssyncadd.s32 $0xFFFFFF80  }
0x50: {  	[tilespmem:s17], [sflag:$0x1] =	stream.linear.gather [hbm4b:s31+s2], $0x80, $0x38;
	[tilespmem:$0x18100] =	vst v63  }
0x51: {  	_ =	swait.ge [sflag:s16], $0x80  }
0x52: {  	[sflag:s16] =	ssyncset.done $0x0  }
0x53: {  	[sflag:s16] =	ssyncadd.s32 $0xFFFFFF80  }
0x54: {  	[tilespmem:s15], [sflag:$0x1] =	stream.indirect.gather [hbm4b:s4+s17], $0x80, s2, s17, $0xb8;
	[tilespmem:$0x18100] =	vst v63  }
0x55: {  	_ =	swait.ge [sflag:s16], $0x4000  }
0x56: {  	[sflag:s16] =	ssyncset.done $0x0  }
0x57: {  	[sflag:s16] =	ssyncadd.s32 $0xFFFFC000  }
0x58: {  	[spmem:s1] =	stream.indirect.scatter.add.f32 [tilespmem:s15], [sflag:$0x1], $0x80, s17, s17, $0xb8;
	[tilespmem:$0x18100] =	vst v63  }
0x59: {  	_ =	swait.ge [sflag:s16], $0x4000  }
0x5a: {  	s20 =	sadd.s32 $0x1, s20;
	[sflag:s16] =	ssyncset.done $0x0  }
0x5b: {  	p0 =	sne.s32 s20, s7;
	[sflag:s16] =	ssyncadd.s32 $0xFFFFC000  }
.Ltmp1:
0x5c: {  	[bflag:$0x0] =	sbarrier.arrive $0xFFFF;
	(pc) =	sbr.rel @p0 .LBB2_1-.Ltmp1, $4  }
0x5d: {  	[hbm:s12], [sflag:s18] =	dma.local [spmem:s19], $0x2800  }
0x5e: {  	_ =	swait.ge [sflag:s16], $0x2800  }
0x5f: {  	[sflag:s16] =	ssyncset.done $0x0  }
0x60: {  	[sflag:s16] =	ssyncadd.s32 $0xFFFFD800  }
0x61: {  	_ =	sfence.sel $0x180000  }
0x62: {  	[bflag:$0x0] =	sbarrier.arrive $0xFFFF  }
0x63: {  	p0 =	sne.s32 s3, $0x0;
	_ =	strace $0x9000004A  }
0x64: {  	s0 =	sadd.s32 @!p0 $0x100000, s0;
	[bflag:$0x2] =	sbarrier.arrive $0xFFFF  }
0x65: {  	[sflag:s0] =	ssyncadd.tile.s32 @!p0 $0x1;
	_ =	shalt  }
.Lfunc_end2:
_tile_overlayer_lowered:
.L_overlay_start_2:
0x66: {  	(tag) =	ssettag $0x2  }
0x67: {  	s0 =	rddreg [dreg:$0x0];
	s2 =	stileid.u32  }
0x68: {  	s1 =	rddreg [dreg:$0x1];
	p0 =	sne.s32 s2, $0x0  }
0x69: {  	s3 =	rddreg [dreg:$0x2];
	[bflag:$0x3] =	sbarrier.arrive $0xFFFF;
	s2 =	simm.s32 @!p0 $0x1C01  }
0x6a: {  	[timem:s3], [sflag:s2] =	dma.local @!p0 [hbm:s0], s1  }
0x6b: {  	s0 =	simm.s32 @!p0 $0x1  }
0x6c: {  	_ =	swait.ge @!p0 [sflag:s0], s1  }
0x6d: {  	s1 =	ssub.s32 @!p0 $0x0, s1;
	[sflag:s0] =	ssyncset.done @!p0 $0x0  }
0x6e: {  	[sflag:s0] =	ssyncadd.s32 @!p0 s1  }
0x6f: {  	[bflag:$0x3] =	sbarrier.arrive $0xFFFF  }
0x70: {  	_ =	shalt  }

// kernel: kernel.14.cloned.1.call-start
scs
__scs_entry_jumppad:
0x0: {  	(pc) =	sbr.rel $0x88, $3  }
0x1: {  	(tag) =	ssettag $0x0;
	lr =	simm.s32 $0x1  }
0x2: {  	[smem:$0x3F9D] =	sst lr;
	_ =	strace $0xD0000000  }
0x3: {  	_ = 	snop  }
0x4: {  	_ = 	snop  }
0x5: {  	_ = 	snop  }
0x6: {  	_ = 	snop  }
0x7: {  	_ = 	snop  }
__scs_overlays_trampoline_lowered:
0x8: {  	[smem:$0x3FAC] =	sst s0  }
0x9: {  	[smem:$0x3FAD] =	sst s1  }
0xa: {  	[smem:$0x3FAE] =	sst s2  }
0xb: {  	[smem:$0x3FAF] =	sst s3  }
0xc: {  	[smem:$0x3FB0] =	sst s4  }
0xd: {  	[smem:$0x3FB1] =	sst s5  }
0xe: {  	[smem:$0x3FB2] =	sst s6  }
0xf: {  	[smem:$0x3FB3] =	sst s7  }
0x10: {  	[smem:$0x3FB4] =	sst s8  }
0x11: {  	[smem:$0x3FB5] =	sst s9;
	s0 =	simm.s32 @!p0 $0x0  }
0x12: {  	s1 =	sld [smem:$0x3F9B];
	s0 =	simm.s32 @p0 $0x1  }
0x13: {  	[smem:$0x3FB6] =	sst s0;
	s0 =	simm.s32 @!p1 $0x0  }
0x14: {  	s2 =	sld [smem:$0x3F9A];
	s0 =	simm.s32 @p1 $0x1  }
0x15: {  	[smem:$0x3FB7] =	sst s0;
	s0 =	simm.s32 @!p2 $0x0  }
0x16: {  	s3 =	sld [smem:$0x3FDB];
	s0 =	simm.s32 @p2 $0x1  }
0x17: {  	s4 =	simm.s32 $0x1BF5;
	[smem:$0x3FB9] =	sst s0  }
0x18: {  	s0 =	sld [smem:$0x3F9C];
	_ =	swait.ge [sflag:s4], $0x0  }
0x19: {  	s7 =	sld [smem:$0x3F9D]  }
0x1a: {  	s8 =	sadd.s32 $0xFFFFE003, lr  }
0x1b: {  	s9 =	sadd.s32 $0xFFFFFEF7, lr;
	s5 =	simm.s32 $0xFFFFFFFF;
	p2 =	slt.u32 s8, $0xFFFFF086  }
0x1c: {  	p1 =	slt.u32 s9, $0xF7A;
	s5 =	simm.s32 @!p2 $0x0  }
0x1d: {  	s5 =	simm.s32 @p1 $0x1;
	p0 =	seq.s32 s7, s2  }
0x1e: {  	s7 =	smul.u32 @!p0 $0xF7A, s2;
	p2 =	seq.s32 @!p0 s5, $0x0  }
0x1f: {  	s9 =	smul.u32 $0xF7A, s1;
	s8 =	simm.s32 @!p0 $0x1BF5;
	p2 =	por !p2, p0  }
0x20: {  	[sflag:s8] =	ssyncset.s32 @!p0 $0xFFFFF086;
	s6 =	sadd.s32 @!p0 s3, s7;
	s7 =	simm.s32 @!p0 $0x108  }
0x21: {  	s3 =	sadd.s32 s3, s9;
	s6 =	sadd.s32 @!p0 $0x88, s6;
	s7 =	simm.s32 @p2 $0x1082  }
0x22: {  	[simem:s7], [sflag:s8] =	dma.local @!p0 [hbm:s6], $0xF7A  }
0x23: {  	s9 =	sor.u32 $0xD0000000, s2;
	s6 =	simm.s32 $0x108;
	_ =	swait.ge @!p0 [sflag:s8], $0x0  }
0x24: {  	s3 =	sadd.s32 $0x88, s3;
	s6 =	simm.s32 @!p1 $0x1082;
	[sflag:s4] =	ssyncset.s32 $0xFFFFF086  }
0x25: {  	[simem:s6], [sflag:s4] =	dma.local [hbm:s3], $0xF7A  }
0x26: {  	[smem:$0x3F9D] =	sst s1;
	(tag) =	ssettag s2;
	_ =	strace s9  }
0x27: {  	s1 =	sld [smem:$0x3FAD]  }
0x28: {  	s2 =	sld [smem:$0x3FAE]  }
0x29: {  	s4 =	sld [smem:$0x3FB0]  }
0x2a: {  	p0 =	seq.s32 s5, $0x0;
	s5 =	sld [smem:$0x3FB1]  }
0x2b: {  	s6 =	sld [smem:$0x3FB2]  }
0x2c: {  	s7 =	sld [smem:$0x3FB3]  }
0x2d: {  	s3 =	simm.s32 $0x108;
	s8 =	sld [smem:$0x3FB4]  }
0x2e: {  	s3 =	simm.s32 @!p0 $0x1082;
	s9 =	sld [smem:$0x3FB5]  }
0x2f: {  	lr =	sadd.s32 s0, s3;
	s0 =	sld [smem:$0x3FAC]  }
0x30: {  	s3 =	sld [smem:$0x3FAF]  }
0x31: {  	[smem:$0x3FB8] =	sst s10  }
0x32: {  	s10 =	sld [smem:$0x3FB6];
	_ =	sdelay $0x3  }
0x33: {  	p0 =	seq.s32 s10, $0x1;
	s10 =	sld [smem:$0x3FB8];
	_ =	sdelay $0x3  }
0x34: {  	[smem:$0x3FB8] =	sst s10  }
0x35: {  	s10 =	sld [smem:$0x3FB7];
	_ =	sdelay $0x3  }
0x36: {  	p1 =	seq.s32 s10, $0x1;
	s10 =	sld [smem:$0x3FB8];
	_ =	sdelay $0x3  }
0x37: {  	[smem:$0x3FB8] =	sst s10  }
0x38: {  	s10 =	sld [smem:$0x3FB9]  }
0x39: {  	_ = 	snop;
	(pc) =	sbr.ind lr, $3  }
0x3a: {  	_ = 	snop  }
0x3b: {  	_ = 	snop  }
0x3c: {  	p2 =	seq.s32 s10, $0x1;
	s10 =	sld [smem:$0x3FB8]  }
0x3d: {  	_ =	shalt  }
0x3e: {  	_ =	shalt  }
0x3f: {  	_ =	shalt  }
0x40: {  	_ =	shalt  }
0x41: {  	_ =	shalt  }
0x42: {  	_ =	shalt  }
0x43: {  	_ =	shalt  }
0x44: {  	_ =	shalt  }
0x45: {  	_ =	shalt  }
0x46: {  	_ =	shalt  }
0x47: {  	_ =	shalt  }
0x48: {  	_ =	shalt  }
0x49: {  	_ =	shalt  }
0x4a: {  	_ =	shalt  }
0x4b: {  	_ =	shalt  }
0x4c: {  	_ =	shalt  }
0x4d: {  	_ =	shalt  }
0x4e: {  	_ =	shalt  }
0x4f: {  	_ =	shalt  }
0x50: {  	_ =	shalt  }
0x51: {  	_ =	shalt  }
0x52: {  	_ =	shalt  }
0x53: {  	_ =	shalt  }
0x54: {  	_ =	shalt  }
0x55: {  	_ =	shalt  }
0x56: {  	_ =	shalt  }
0x57: {  	_ =	shalt  }
0x58: {  	_ =	shalt  }
0x59: {  	_ =	shalt  }
0x5a: {  	_ =	shalt  }
0x5b: {  	_ =	shalt  }
0x5c: {  	_ =	shalt  }
0x5d: {  	_ =	shalt  }
0x5e: {  	_ =	shalt  }
0x5f: {  	_ =	shalt  }
0x60: {  	_ =	shalt  }
0x61: {  	_ =	shalt  }
0x62: {  	_ =	shalt  }
0x63: {  	_ =	shalt  }
0x64: {  	_ =	shalt  }
0x65: {  	_ =	shalt  }
0x66: {  	_ =	shalt  }
0x67: {  	_ =	shalt  }
0x68: {  	_ =	shalt  }
0x69: {  	_ =	shalt  }
0x6a: {  	_ =	shalt  }
0x6b: {  	_ =	shalt  }
0x6c: {  	_ =	shalt  }
0x6d: {  	_ =	shalt  }
0x6e: {  	_ =	shalt  }
0x6f: {  	_ =	shalt  }
0x70: {  	_ =	shalt  }
0x71: {  	_ =	shalt  }
0x72: {  	_ =	shalt  }
0x73: {  	_ =	shalt  }
0x74: {  	_ =	shalt  }
0x75: {  	_ =	shalt  }
0x76: {  	_ =	shalt  }
0x77: {  	_ =	shalt  }
0x78: {  	_ =	shalt  }
0x79: {  	_ =	shalt  }
0x7a: {  	_ =	shalt  }
0x7b: {  	_ =	shalt  }
0x7c: {  	_ =	shalt  }
0x7d: {  	_ =	shalt  }
0x7e: {  	_ =	shalt  }
0x7f: {  	_ =	shalt  }
0x80: {  	_ =	shalt  }
0x81: {  	_ =	shalt  }
0x82: {  	_ =	shalt  }
0x83: {  	_ =	shalt  }
0x84: {  	_ =	shalt  }
0x85: {  	_ =	shalt  }
0x86: {  	_ =	shalt  }
0x87: {  	_ =	shalt  }
.Lfunc_end0:
.L_simem_size_0:
called_computation.2_lowered:
.L_overlay_start_0:
0x88: {  	s2 =	sld [smem:$0x3FD9]  }
0x89: {  	s3 =	sld [smem:$0x3FFE];
	_ =	sdelay $0x1  }
0x8a: {  	s1 =	srdreg.scid  }
0x8b: {  	s0 =	sand.u32 $0x1, s1  }
0x8c: {  	s17 =	sshll.u32 s0, $0xA;
	s2 =	sadd.s32 s3, s2  }
0x8d: {  	s2 =	sadd.s32 s2, s17  }
0x8e: {  	[smem:$0x3FC4] =	sst s2  }
0x8f: {  	_ = 	snop  }
0x90: {  	s2 =	sld [smem:$0x3FD0];
	(tm) =	ssettm $0x1  }
0x91: {  	s18 =	sld [smem:$0x3FFB];
	_ =	sdelay $0x3  }
0x92: {  	_ =	strace s18  }
0x93: {  	s3 =	sld [smem:$0x3FFC];
	_ =	sdelay $0x3  }
0x94: {  	_ =	strace s3  }
0x95: {  	s3 =	sld [smem:$0x3FFD];
	_ =	sdelay $0x3  }
0x96: {  	_ =	strace s3  }
0x97: {  	_ =	strace $0x8FFFFFFF  }
0x98: {  	s19 =	sld [smem:$0x3FDB];
	_ =	sdelay $0x1  }
0x99: {  	s4 =	simm.s32 $_scs_section_size  }
0x9a: {  	s5 =	simm.s32 $_size__tile_overlayer_lowered;
	s6 =	simm.s32 $_tile_overlayer_lowered  }
0x9b: {  	s22 =	simm.s32 $0x1BFF;
	s21 =	sshll.u32 s6, $0x1;
	s3 =	sadd.s32 s4, s19  }
0x9c: {  	s7 =	simm.s32 $0x0;
	s20 =	sshll.u32 s5, $0x1;
	s5 =	sadd.s32 s21, s3  }
0x9d: {  	[timem:s7], [sflag:s22] =	dma.local [hbm:s5], s20  }
0x9e: {  	_ =	swait.ge [sflag:s22], s20  }
0x9f: {  	s4 =	ssub.s32 $0x0, s20;
	[sflag:s22] =	ssyncset.done $0x0  }
0xa0: {  	[sflag:s22] =	ssyncadd.s32 s4;
	_ =	sdelay $0x1  }
0xa1: {  	s23 =	simm.s32 $0x1B8B  }
0xa2: {  	_ =	swait.ge [sflag:s23], $0x1  }
0xa3: {  	[sflag:s23] =	ssyncset.done $0x0  }
0xa4: {  	s25 =	simm.s32 $0x1B8E;
	s24 =	sld [smem:$0x3FFE];
	[sflag:s23] =	ssyncadd.s32 $0xFFFFFFFF  }
0xa5: {  	s26 =	simm.s32 $execute0_lowered;
	[smem:$0x3FD2] =	sst s25  }
0xa6: {  	s5 =	sshll.u32 s26, $0x1;
	_ =	strace $0x8000004C;
	[dreg:$0x1] =	wrdreg $0xFFFFFFFF  }
0xa7: {  	s28 =	simm.s32 $_size_execute0_lowered;
	s3 =	sadd.s32 s3, s5;
	[dreg:$0x0] =	wrdreg $0x0  }
0xa8: {  	s5 =	sshll.u32 s28, $0x1;
	[dreg:$0x2] =	wrdreg s3  }
0xa9: {  	[dreg:$0x3] =	wrdreg s5  }
0xaa: {  	[dreg:$0x4] =	wrdreg $0xC0  }
0xab: {  	_ =	task [dreg:s7], $0x5FFFF  }
0xac: {  	[dreg:$0x1] =	wrdreg $0xFFFFFFFF  }
0xad: {  	[dreg:$0x0] =	wrdreg $0x60  }
0xae: {  	[dreg:$0x2] =	wrdreg s24  }
0xaf: {  	[dreg:$0x3] =	wrdreg s2  }
0xb0: {  	[dreg:$0x4] =	wrdreg $0x41000  }
0xb1: {  	[dreg:$0x5] =	wrdreg $0x9  }
0xb2: {  	_ =	task.clear_ibuf [dreg:s7], $0x6FFFF;
	_ =	strace $0x9000004C  }
0xb3: {  	s29 =	simm.s32 $0x9;
	_ =	strace $0x8000004E  }
0xb4: {  	_ =	swait.ge [sflag:s29], $0x1  }
0xb5: {  	[sflag:s29] =	ssyncadd.s32 $0xFFFFFFFF  }
0xb6: {  	_ =	strace $0x9000004E  }
0xb7: {  	_ =	sfence  }
0xb8: {  	s30 =	sld [smem:$0x0];
	_ =	sdelay $0x2  }
0xb9: {  	s31 =	sshll.u32 s1, $0xD;
	s1 =	sshrl.u32 s1, $0x2  }
0xba: {  	s3 =	sand.u32 $0x4000, s31;
	s1 =	sadd.s32 s1, s30  }
0xbb: {  	s0 =	sor.u32 s3, s0;
	s1 =	sshll.u32 s1, $0x11  }
0xbc: {  	s0 =	sor.u32 s1, s0  }
0xbd: {  	s0 =	sadd.s32 $0x8F2B, s0  }
0xbe: {  	[sflag:s0] =	ssyncadd.remote.s32 $0x1  }
0xbf: {  	_ =	sfence.sel $0xFFFF  }
0xc0: {  	[dreg:$0x0] =	wrdreg $0xFFFFFFFF;
	(pc) =	sbr.abs _section_cstart, $3  }
0xc1: {  	[dreg:$0x1] =	wrdreg $0xFFFFFFFF  }
0xc2: {  	_ =	task.clear_ibuf [dreg:s7], $0x2FFFF;
	_ =	strace $0x9FFFFFFF  }
0xc3: {  	(tm) =	ssettm $0x7FFFFFFF  }
tec
execute0_lowered:
.L_overlay_start_1:
0x0: {  	(tag) =	ssettag $0x1  }
0x1: {  	s12 =	rddreg [dreg:$0x0]  }
0x2: {  	s13 =	rddreg [dreg:$0x1]  }
0x3: {  	s1 =	rddreg [dreg:$0x2]  }
0x4: {  	s0 =	rddreg [dreg:$0x3]  }
0x5: {  	s2 =	simm.s32 $0x0;
	s3 =	srdreg.scid;
	s17 =	simm.s32 $0x5D400  }
0x6: {  	s20 =	simm.s32 $0x0;
	[smem:$0x7FF] =	sst s2;
	s7 =	sand.u32 $0x1, s3  }
0x7: {  	s3 =	stileid.u32;
	s4 =	sadd.s32 $0x2E00, s12;
	s14 =	smul.u32 $0x4F00, s7  }
0x8: {  	s5 =	sadd.s32 $0x2600, s12;
	_ =	strace $0x8000004D;
	s8 =	smul.u32 $0x50000, s3  }
0x9: {  	s6 =	ssub.s32 $0x2, s7;
	p0 =	seq.s32 s7, $0x1;
	s16 =	smul.u32 $0x2800, s3  }
0xa: {  	s18 =	smul.u32 $0x4F0, s3;
	s31 =	sshll.u32 s3, $0x6;
	s9 =	sshrl.u32 s6, $0x1  }
0xb: {  	s17 =	simm.s32 @!p0 $0x2AE00;
	s15 =	sadd.s32 s14, s12;
	s9 =	ssub.s32 s6, s9  }
0xc: {  	s29 =	sshrl.u32 s8, $0x2;
	s12 =	sadd.s32 s17, s12;
	s13 =	sadd.s32 s14, s13  }
0xd: {  	s17 =	simm.s32 $0x80;
	s6 =	sadd.s32 s29, s1;
	s7 =	smax.u32 s9, $0x1  }
0xe: {  	s12 =	sadd.s32 s12, s16;
	s30 =	sadd.s32 s18, s15;
	s13 =	sadd.s32 s18, s13  }
0xf: {  	s15 =	simm.s32 $0x100;
	s16 =	simm.s32 $0x1;
	s18 =	sor.u32 $0x1C01, s31  }
0x10: {  	s8 =	sadd.s32 $0x4000, s6;
	s9 =	sadd.s32 $0x8000, s6;
	s10 =	sadd.s32 $0xC000, s6  }
0x11: {  	s11 =	sadd.s32 $0x10000, s6;
	s14 =	sadd.s32 $0x53600, s30;
	s19 =	sshrl.u32 s6, $0x3  }
.LBB2_1:
0x12: {  	[tilespmem:s15], [sflag:$0x1] =	stream.linear.gather [hbm4b:s5+s2], $0x4000, $0x38;
	[tilespmem:$0x18100] =	vst v63  }
0x13: {  	_ =	swait.ge [sflag:s16], $0x4000  }
0x14: {  	[sflag:s16] =	ssyncset.done $0x0  }
0x15: {  	[sflag:s16] =	ssyncadd.s32 $0xFFFFC000  }
0x16: {  	[spmem:s6] =	stream.linear.scatter [tilespmem:s15], [sflag:$0x1], $0x4000, $0x38;
	[tilespmem:$0x18100] =	vst v63  }
0x17: {  	_ =	swait.ge [sflag:s16], $0x4000  }
0x18: {  	[sflag:s16] =	ssyncset.done $0x0  }
0x19: {  	[sflag:s16] =	ssyncadd.s32 $0xFFFFC000  }
0x1a: {  	[spmem:s8] =	stream.linear.scatter [tilespmem:s15], [sflag:$0x1], $0x4000, $0x38;
	[tilespmem:$0x18100] =	vst v63  }
0x1b: {  	_ =	swait.ge [sflag:s16], $0x4000  }
0x1c: {  	[sflag:s16] =	ssyncset.done $0x0  }
0x1d: {  	[sflag:s16] =	ssyncadd.s32 $0xFFFFC000  }
0x1e: {  	[spmem:s9] =	stream.linear.scatter [tilespmem:s15], [sflag:$0x1], $0x4000, $0x38;
	[tilespmem:$0x18100] =	vst v63  }
0x1f: {  	_ =	swait.ge [sflag:s16], $0x4000  }
0x20: {  	[sflag:s16] =	ssyncset.done $0x0  }
0x21: {  	[sflag:s16] =	ssyncadd.s32 $0xFFFFC000  }
0x22: {  	[spmem:s10] =	stream.linear.scatter [tilespmem:s15], [sflag:$0x1], $0x4000, $0x38;
	[tilespmem:$0x18100] =	vst v63  }
0x23: {  	_ =	swait.ge [sflag:s16], $0x4000  }
0x24: {  	[sflag:s16] =	ssyncset.done $0x0  }
0x25: {  	[sflag:s16] =	ssyncadd.s32 $0xFFFFC000  }
0x26: {  	[spmem:s11] =	stream.linear.scatter [tilespmem:s15], [sflag:$0x1], $0x4000, $0x38;
	[tilespmem:$0x18100] =	vst v63  }
0x27: {  	_ =	swait.ge [sflag:s16], $0x4000  }
0x28: {  	[sflag:s16] =	ssyncset.done $0x0  }
0x29: {  	[sflag:s16] =	ssyncadd.s32 $0xFFFFC000  }
0x2a: {  	s21 =	sadd.s32 $0x0, s14;
	[bflag:$0x0] =	sbarrier.arrive $0xFFFF  }
0x2b: {  	[tilespmem:s2], [sflag:$0x1] =	stream.linear.gather [hbm4b:s21+s2], $0x80, $0x38;
	[tilespmem:$0x18100] =	vst v63  }
0x2c: {  	_ =	swait.ge [sflag:s16], $0x80  }
0x2d: {  	[sflag:s16] =	ssyncset.done $0x0  }
0x2e: {  	s31 =	sadd.s32 $0x0, s13;
	[sflag:s16] =	ssyncadd.s32 $0xFFFFFF80  }
0x2f: {  	[tilespmem:s17], [sflag:$0x1] =	stream.linear.gather [hbm4b:s31+s2], $0x80, $0x38;
	[tilespmem:$0x18100] =	vst v63  }
0x30: {  	_ =	swait.ge [sflag:s16], $0x80  }
0x31: {  	[sflag:s16] =	ssyncset.done $0x0  }
0x32: {  	[sflag:s16] =	ssyncadd.s32 $0xFFFFFF80  }
0x33: {  	[tilespmem:s15], [sflag:$0x1] =	stream.indirect.gather [hbm4b:s4+s17], $0x80, s2, s17, $0xb8;
	[tilespmem:$0x18100] =	vst v63  }
0x34: {  	_ =	swait.ge [sflag:s16], $0x4000  }
0x35: {  	[sflag:s16] =	ssyncset.done $0x0  }
0x36: {  	[sflag:s16] =	ssyncadd.s32 $0xFFFFC000  }
0x37: {  	[spmem:s1] =	stream.indirect.scatter.add.f32 [tilespmem:s15], [sflag:$0x1], $0x80, s17, s17, $0xb8;
	[tilespmem:$0x18100] =	vst v63  }
0x38: {  	_ =	swait.ge [sflag:s16], $0x4000  }
0x39: {  	s22 =	simm.s32 $0x20;
	s21 =	simm.s32 $0x10;
	[sflag:s16] =	ssyncset.done $0x0  }
.LBB2_2:
0x3a: {  	s23 =	sadd.s32 s21, s14  }
0x3b: {  	[sflag:s16] =	ssyncadd.s32 $0xFFFFC000;
	s24 =	smov.u32 s22;
	s25 =	sadd.s32 $0x10, s22  }
0x3c: {  	[tilespmem:s2], [sflag:$0x1] =	stream.linear.gather [hbm4b:s23+s2], $0x80, $0x38;
	[tilespmem:$0x18100] =	vst v63  }
0x3d: {  	p0 =	sne.s32 s22, $0x4E0;
	_ =	swait.ge [sflag:s16], $0x80  }
0x3e: {  	[sflag:s16] =	ssyncset.done $0x0  }
0x3f: {  	s22 =	sadd.s32 s21, s13;
	s21 =	smov.u32 s24;
	[sflag:s16] =	ssyncadd.s32 $0xFFFFFF80  }
0x40: {  	[tilespmem:s17], [sflag:$0x1] =	stream.linear.gather [hbm4b:s22+s2], $0x80, $0x38;
	[tilespmem:$0x18100] =	vst v63  }
0x41: {  	_ =	swait.ge [sflag:s16], $0x80  }
0x42: {  	[sflag:s16] =	ssyncset.done $0x0  }
0x43: {  	[sflag:s16] =	ssyncadd.s32 $0xFFFFFF80  }
0x44: {  	[tilespmem:s15], [sflag:$0x1] =	stream.indirect.gather [hbm4b:s4+s17], $0x80, s2, s17, $0xb8;
	[tilespmem:$0x18100] =	vst v63  }
0x45: {  	_ =	swait.ge [sflag:s16], $0x4000  }
.Ltmp0:
0x46: {  	[sflag:s16] =	ssyncset.done $0x0;
	(pc) =	sbr.rel @p0 .LBB2_2-.Ltmp0, $4  }
0x47: {  	[sflag:s16] =	ssyncadd.s32 $0xFFFFC000  }
0x48: {  	[spmem:s1] =	stream.indirect.scatter.add.f32 [tilespmem:s15], [sflag:$0x1], $0x80, s17, s17, $0xb8;
	[tilespmem:$0x18100] =	vst v63  }
0x49: {  	_ =	swait.ge [sflag:s16], $0x4000  }
0x4a: {  	s22 =	smov.u32 s25;
	[sflag:s16] =	ssyncset.done $0x0  }
0x4b: {  	s22 =	sadd.s32 s21, s14;
	[sflag:s16] =	ssyncadd.s32 $0xFFFFC000  }
0x4c: {  	[tilespmem:s2], [sflag:$0x1] =	stream.linear.gather [hbm4b:s22+s2], $0x80, $0x38;
	[tilespmem:$0x18100] =	vst v63  }
0x4d: {  	_ =	swait.ge [sflag:s16], $0x80  }
0x4e: {  	[sflag:s16] =	ssyncset.done $0x0  }
0x4f: {  	s31 =	sadd.s32 s21, s13;
	[sflag:s16] =	ssyncadd.s32 $0xFFFFFF80  }
0x50: {  	[tilespmem:s17], [sflag:$0x1] =	stream.linear.gather [hbm4b:s31+s2], $0x80, $0x38;
	[tilespmem:$0x18100] =	vst v63  }
0x51: {  	_ =	swait.ge [sflag:s16], $0x80  }
0x52: {  	[sflag:s16] =	ssyncset.done $0x0  }
0x53: {  	[sflag:s16] =	ssyncadd.s32 $0xFFFFFF80  }
0x54: {  	[tilespmem:s15], [sflag:$0x1] =	stream.indirect.gather [hbm4b:s4+s17], $0x80, s2, s17, $0xb8;
	[tilespmem:$0x18100] =	vst v63  }
0x55: {  	_ =	swait.ge [sflag:s16], $0x4000  }
0x56: {  	[sflag:s16] =	ssyncset.done $0x0  }
0x57: {  	[sflag:s16] =	ssyncadd.s32 $0xFFFFC000  }
0x58: {  	[spmem:s1] =	stream.indirect.scatter.add.f32 [tilespmem:s15], [sflag:$0x1], $0x80, s17, s17, $0xb8;
	[tilespmem:$0x18100] =	vst v63  }
0x59: {  	_ =	swait.ge [sflag:s16], $0x4000  }
0x5a: {  	s20 =	sadd.s32 $0x1, s20;
	[sflag:s16] =	ssyncset.done $0x0  }
0x5b: {  	p0 =	sne.s32 s20, s7;
	[sflag:s16] =	ssyncadd.s32 $0xFFFFC000  }
.Ltmp1:
0x5c: {  	[bflag:$0x0] =	sbarrier.arrive $0xFFFF;
	(pc) =	sbr.rel @p0 .LBB2_1-.Ltmp1, $4  }
0x5d: {  	[hbm:s12], [sflag:s18] =	dma.local [spmem:s19], $0x2800  }
0x5e: {  	_ =	swait.ge [sflag:s16], $0x2800  }
0x5f: {  	[sflag:s16] =	ssyncset.done $0x0  }
0x60: {  	[sflag:s16] =	ssyncadd.s32 $0xFFFFD800  }
0x61: {  	_ =	sfence.sel $0x180000  }
0x62: {  	[bflag:$0x0] =	sbarrier.arrive $0xFFFF  }
0x63: {  	p0 =	sne.s32 s3, $0x0;
	_ =	strace $0x9000004D  }
0x64: {  	s0 =	sadd.s32 @!p0 $0x100000, s0;
	[bflag:$0x2] =	sbarrier.arrive $0xFFFF  }
0x65: {  	[sflag:s0] =	ssyncadd.tile.s32 @!p0 $0x1;
	_ =	shalt  }
.Lfunc_end2:
_tile_overlayer_lowered:
.L_overlay_start_2:
0x66: {  	(tag) =	ssettag $0x2  }
0x67: {  	s0 =	rddreg [dreg:$0x0];
	s2 =	stileid.u32  }
0x68: {  	s1 =	rddreg [dreg:$0x1];
	p0 =	sne.s32 s2, $0x0  }
0x69: {  	s3 =	rddreg [dreg:$0x2];
	[bflag:$0x3] =	sbarrier.arrive $0xFFFF;
	s2 =	simm.s32 @!p0 $0x1C01  }
0x6a: {  	[timem:s3], [sflag:s2] =	dma.local @!p0 [hbm:s0], s1  }
0x6b: {  	s0 =	simm.s32 @!p0 $0x1  }
0x6c: {  	_ =	swait.ge @!p0 [sflag:s0], s1  }
0x6d: {  	s1 =	ssub.s32 @!p0 $0x0, s1;
	[sflag:s0] =	ssyncset.done @!p0 $0x0  }
0x6e: {  	[sflag:s0] =	ssyncadd.s32 @!p0 s1  }
0x6f: {  	[bflag:$0x3] =	sbarrier.arrive $0xFFFF  }
0x70: {  	_ =	shalt  }

// kernel: kernel.8.cloned.1.call-start
scs
__scs_entry_jumppad:
0x0: {  	(pc) =	sbr.rel $0x88, $3  }
0x1: {  	(tag) =	ssettag $0x0;
	lr =	simm.s32 $0x1  }
0x2: {  	[smem:$0x3F9D] =	sst lr;
	_ =	strace $0xD0000000  }
0x3: {  	_ = 	snop  }
0x4: {  	_ = 	snop  }
0x5: {  	_ = 	snop  }
0x6: {  	_ = 	snop  }
0x7: {  	_ = 	snop  }
__scs_overlays_trampoline_lowered:
0x8: {  	[smem:$0x3FAC] =	sst s0  }
0x9: {  	[smem:$0x3FAD] =	sst s1  }
0xa: {  	[smem:$0x3FAE] =	sst s2  }
0xb: {  	[smem:$0x3FAF] =	sst s3  }
0xc: {  	[smem:$0x3FB0] =	sst s4  }
0xd: {  	[smem:$0x3FB1] =	sst s5  }
0xe: {  	[smem:$0x3FB2] =	sst s6  }
0xf: {  	[smem:$0x3FB3] =	sst s7  }
0x10: {  	[smem:$0x3FB4] =	sst s8  }
0x11: {  	[smem:$0x3FB5] =	sst s9;
	s0 =	simm.s32 @!p0 $0x0  }
0x12: {  	s1 =	sld [smem:$0x3F9B];
	s0 =	simm.s32 @p0 $0x1  }
0x13: {  	[smem:$0x3FB6] =	sst s0;
	s0 =	simm.s32 @!p1 $0x0  }
0x14: {  	s2 =	sld [smem:$0x3F9A];
	s0 =	simm.s32 @p1 $0x1  }
0x15: {  	[smem:$0x3FB7] =	sst s0;
	s0 =	simm.s32 @!p2 $0x0  }
0x16: {  	s3 =	sld [smem:$0x3FDB];
	s0 =	simm.s32 @p2 $0x1  }
0x17: {  	s4 =	simm.s32 $0x1BF5;
	[smem:$0x3FB9] =	sst s0  }
0x18: {  	s0 =	sld [smem:$0x3F9C];
	_ =	swait.ge [sflag:s4], $0x0  }
0x19: {  	s7 =	sld [smem:$0x3F9D]  }
0x1a: {  	s8 =	sadd.s32 $0xFFFFE003, lr  }
0x1b: {  	s9 =	sadd.s32 $0xFFFFFEF7, lr;
	s5 =	simm.s32 $0xFFFFFFFF;
	p2 =	slt.u32 s8, $0xFFFFF086  }
0x1c: {  	p1 =	slt.u32 s9, $0xF7A;
	s5 =	simm.s32 @!p2 $0x0  }
0x1d: {  	s5 =	simm.s32 @p1 $0x1;
	p0 =	seq.s32 s7, s2  }
0x1e: {  	s7 =	smul.u32 @!p0 $0xF7A, s2;
	p2 =	seq.s32 @!p0 s5, $0x0  }
0x1f: {  	s9 =	smul.u32 $0xF7A, s1;
	s8 =	simm.s32 @!p0 $0x1BF5;
	p2 =	por !p2, p0  }
0x20: {  	[sflag:s8] =	ssyncset.s32 @!p0 $0xFFFFF086;
	s6 =	sadd.s32 @!p0 s3, s7;
	s7 =	simm.s32 @!p0 $0x108  }
0x21: {  	s3 =	sadd.s32 s3, s9;
	s6 =	sadd.s32 @!p0 $0x88, s6;
	s7 =	simm.s32 @p2 $0x1082  }
0x22: {  	[simem:s7], [sflag:s8] =	dma.local @!p0 [hbm:s6], $0xF7A  }
0x23: {  	s9 =	sor.u32 $0xD0000000, s2;
	s6 =	simm.s32 $0x108;
	_ =	swait.ge @!p0 [sflag:s8], $0x0  }
0x24: {  	s3 =	sadd.s32 $0x88, s3;
	s6 =	simm.s32 @!p1 $0x1082;
	[sflag:s4] =	ssyncset.s32 $0xFFFFF086  }
0x25: {  	[simem:s6], [sflag:s4] =	dma.local [hbm:s3], $0xF7A  }
0x26: {  	[smem:$0x3F9D] =	sst s1;
	(tag) =	ssettag s2;
	_ =	strace s9  }
0x27: {  	s1 =	sld [smem:$0x3FAD]  }
0x28: {  	s2 =	sld [smem:$0x3FAE]  }
0x29: {  	s4 =	sld [smem:$0x3FB0]  }
0x2a: {  	p0 =	seq.s32 s5, $0x0;
	s5 =	sld [smem:$0x3FB1]  }
0x2b: {  	s6 =	sld [smem:$0x3FB2]  }
0x2c: {  	s7 =	sld [smem:$0x3FB3]  }
0x2d: {  	s3 =	simm.s32 $0x108;
	s8 =	sld [smem:$0x3FB4]  }
0x2e: {  	s3 =	simm.s32 @!p0 $0x1082;
	s9 =	sld [smem:$0x3FB5]  }
0x2f: {  	lr =	sadd.s32 s0, s3;
	s0 =	sld [smem:$0x3FAC]  }
0x30: {  	s3 =	sld [smem:$0x3FAF]  }
0x31: {  	[smem:$0x3FB8] =	sst s10  }
0x32: {  	s10 =	sld [smem:$0x3FB6];
	_ =	sdelay $0x3  }
0x33: {  	p0 =	seq.s32 s10, $0x1;
	s10 =	sld [smem:$0x3FB8];
	_ =	sdelay $0x3  }
0x34: {  	[smem:$0x3FB8] =	sst s10  }
0x35: {  	s10 =	sld [smem:$0x3FB7];
	_ =	sdelay $0x3  }
0x36: {  	p1 =	seq.s32 s10, $0x1;
	s10 =	sld [smem:$0x3FB8];
	_ =	sdelay $0x3  }
0x37: {  	[smem:$0x3FB8] =	sst s10  }
0x38: {  	s10 =	sld [smem:$0x3FB9]  }
0x39: {  	_ = 	snop;
	(pc) =	sbr.ind lr, $3  }
0x3a: {  	_ = 	snop  }
0x3b: {  	_ = 	snop  }
0x3c: {  	p2 =	seq.s32 s10, $0x1;
	s10 =	sld [smem:$0x3FB8]  }
0x3d: {  	_ =	shalt  }
0x3e: {  	_ =	shalt  }
0x3f: {  	_ =	shalt  }
0x40: {  	_ =	shalt  }
0x41: {  	_ =	shalt  }
0x42: {  	_ =	shalt  }
0x43: {  	_ =	shalt  }
0x44: {  	_ =	shalt  }
0x45: {  	_ =	shalt  }
0x46: {  	_ =	shalt  }
0x47: {  	_ =	shalt  }
0x48: {  	_ =	shalt  }
0x49: {  	_ =	shalt  }
0x4a: {  	_ =	shalt  }
0x4b: {  	_ =	shalt  }
0x4c: {  	_ =	shalt  }
0x4d: {  	_ =	shalt  }
0x4e: {  	_ =	shalt  }
0x4f: {  	_ =	shalt  }
0x50: {  	_ =	shalt  }
0x51: {  	_ =	shalt  }
0x52: {  	_ =	shalt  }
0x53: {  	_ =	shalt  }
0x54: {  	_ =	shalt  }
0x55: {  	_ =	shalt  }
0x56: {  	_ =	shalt  }
0x57: {  	_ =	shalt  }
0x58: {  	_ =	shalt  }
0x59: {  	_ =	shalt  }
0x5a: {  	_ =	shalt  }
0x5b: {  	_ =	shalt  }
0x5c: {  	_ =	shalt  }
0x5d: {  	_ =	shalt  }
0x5e: {  	_ =	shalt  }
0x5f: {  	_ =	shalt  }
0x60: {  	_ =	shalt  }
0x61: {  	_ =	shalt  }
0x62: {  	_ =	shalt  }
0x63: {  	_ =	shalt  }
0x64: {  	_ =	shalt  }
0x65: {  	_ =	shalt  }
0x66: {  	_ =	shalt  }
0x67: {  	_ =	shalt  }
0x68: {  	_ =	shalt  }
0x69: {  	_ =	shalt  }
0x6a: {  	_ =	shalt  }
0x6b: {  	_ =	shalt  }
0x6c: {  	_ =	shalt  }
0x6d: {  	_ =	shalt  }
0x6e: {  	_ =	shalt  }
0x6f: {  	_ =	shalt  }
0x70: {  	_ =	shalt  }
0x71: {  	_ =	shalt  }
0x72: {  	_ =	shalt  }
0x73: {  	_ =	shalt  }
0x74: {  	_ =	shalt  }
0x75: {  	_ =	shalt  }
0x76: {  	_ =	shalt  }
0x77: {  	_ =	shalt  }
0x78: {  	_ =	shalt  }
0x79: {  	_ =	shalt  }
0x7a: {  	_ =	shalt  }
0x7b: {  	_ =	shalt  }
0x7c: {  	_ =	shalt  }
0x7d: {  	_ =	shalt  }
0x7e: {  	_ =	shalt  }
0x7f: {  	_ =	shalt  }
0x80: {  	_ =	shalt  }
0x81: {  	_ =	shalt  }
0x82: {  	_ =	shalt  }
0x83: {  	_ =	shalt  }
0x84: {  	_ =	shalt  }
0x85: {  	_ =	shalt  }
0x86: {  	_ =	shalt  }
0x87: {  	_ =	shalt  }
.Lfunc_end0:
.L_simem_size_0:
called_computation_lowered:
.L_overlay_start_0:
0x88: {  	s2 =	sld [smem:$0x3FD9]  }
0x89: {  	s3 =	sld [smem:$0x3FFE];
	_ =	sdelay $0x1  }
0x8a: {  	s1 =	srdreg.scid  }
0x8b: {  	s0 =	sand.u32 $0x1, s1  }
0x8c: {  	s17 =	sshll.u32 s0, $0xA;
	s2 =	sadd.s32 s3, s2  }
0x8d: {  	s2 =	sadd.s32 s2, s17  }
0x8e: {  	[smem:$0x3FC4] =	sst s2  }
0x8f: {  	_ = 	snop  }
0x90: {  	s2 =	sld [smem:$0x3FD0];
	(tm) =	ssettm $0x1  }
0x91: {  	s18 =	sld [smem:$0x3FFB];
	_ =	sdelay $0x3  }
0x92: {  	_ =	strace s18  }
0x93: {  	s3 =	sld [smem:$0x3FFC];
	_ =	sdelay $0x3  }
0x94: {  	_ =	strace s3  }
0x95: {  	s3 =	sld [smem:$0x3FFD];
	_ =	sdelay $0x3  }
0x96: {  	_ =	strace s3  }
0x97: {  	_ =	strace $0x8FFFFFFF  }
0x98: {  	s19 =	sld [smem:$0x3FDB];
	_ =	sdelay $0x1  }
0x99: {  	s4 =	simm.s32 $_scs_section_size  }
0x9a: {  	s5 =	simm.s32 $_size__tile_overlayer_lowered;
	s6 =	simm.s32 $_tile_overlayer_lowered  }
0x9b: {  	s22 =	simm.s32 $0x1BFF;
	s21 =	sshll.u32 s6, $0x1;
	s3 =	sadd.s32 s4, s19  }
0x9c: {  	s7 =	simm.s32 $0x0;
	s20 =	sshll.u32 s5, $0x1;
	s5 =	sadd.s32 s21, s3  }
0x9d: {  	[timem:s7], [sflag:s22] =	dma.local [hbm:s5], s20  }
0x9e: {  	_ =	swait.ge [sflag:s22], s20  }
0x9f: {  	s4 =	ssub.s32 $0x0, s20;
	[sflag:s22] =	ssyncset.done $0x0  }
0xa0: {  	[sflag:s22] =	ssyncadd.s32 s4;
	_ =	sdelay $0x1  }
0xa1: {  	s23 =	simm.s32 $0x1B8B  }
0xa2: {  	_ =	swait.ge [sflag:s23], $0x1  }
0xa3: {  	[sflag:s23] =	ssyncset.done $0x0  }
0xa4: {  	s25 =	simm.s32 $0x1B8E;
	s24 =	sld [smem:$0x3FFE];
	[sflag:s23] =	ssyncadd.s32 $0xFFFFFFFF  }
0xa5: {  	s26 =	simm.s32 $execute0_lowered;
	[smem:$0x3FD2] =	sst s25  }
0xa6: {  	s5 =	sshll.u32 s26, $0x1;
	_ =	strace $0x80000046;
	[dreg:$0x1] =	wrdreg $0xFFFFFFFF  }
0xa7: {  	s28 =	simm.s32 $_size_execute0_lowered;
	s3 =	sadd.s32 s3, s5;
	[dreg:$0x0] =	wrdreg $0x0  }
0xa8: {  	s5 =	sshll.u32 s28, $0x1;
	[dreg:$0x2] =	wrdreg s3  }
0xa9: {  	[dreg:$0x3] =	wrdreg s5  }
0xaa: {  	[dreg:$0x4] =	wrdreg $0xC0  }
0xab: {  	_ =	task [dreg:s7], $0x5FFFF  }
0xac: {  	[dreg:$0x1] =	wrdreg $0xFFFFFFFF  }
0xad: {  	[dreg:$0x0] =	wrdreg $0x60  }
0xae: {  	[dreg:$0x2] =	wrdreg s2  }
0xaf: {  	[dreg:$0x3] =	wrdreg s24  }
0xb0: {  	[dreg:$0x4] =	wrdreg $0x40800  }
0xb1: {  	[dreg:$0x5] =	wrdreg $0x9  }
0xb2: {  	_ =	task.clear_ibuf [dreg:s7], $0x6FFFF;
	_ =	strace $0x90000046  }
0xb3: {  	s29 =	simm.s32 $0x9;
	_ =	strace $0x80000048  }
0xb4: {  	_ =	swait.ge [sflag:s29], $0x1  }
0xb5: {  	[sflag:s29] =	ssyncadd.s32 $0xFFFFFFFF  }
0xb6: {  	_ =	strace $0x90000048  }
0xb7: {  	_ =	sfence  }
0xb8: {  	s30 =	sld [smem:$0x0];
	_ =	sdelay $0x2  }
0xb9: {  	s31 =	sshll.u32 s1, $0xD;
	s1 =	sshrl.u32 s1, $0x2  }
0xba: {  	s3 =	sand.u32 $0x4000, s31;
	s1 =	sadd.s32 s1, s30  }
0xbb: {  	s0 =	sor.u32 s3, s0;
	s1 =	sshll.u32 s1, $0x11  }
0xbc: {  	s0 =	sor.u32 s1, s0  }
0xbd: {  	s0 =	sadd.s32 $0x8F2B, s0  }
0xbe: {  	[sflag:s0] =	ssyncadd.remote.s32 $0x1  }
0xbf: {  	_ =	sfence.sel $0xFFFF  }
0xc0: {  	[dreg:$0x0] =	wrdreg $0xFFFFFFFF;
	(pc) =	sbr.abs _section_cstart, $3  }
0xc1: {  	[dreg:$0x1] =	wrdreg $0xFFFFFFFF  }
0xc2: {  	_ =	task.clear_ibuf [dreg:s7], $0x2FFFF;
	_ =	strace $0x9FFFFFFF  }
0xc3: {  	(tm) =	ssettm $0x7FFFFFFF  }
tec
execute0_lowered:
.L_overlay_start_1:
0x0: {  	(tag) =	ssettag $0x1  }
0x1: {  	s11 =	rddreg [dreg:$0x0]  }
0x2: {  	s12 =	rddreg [dreg:$0x1]  }
0x3: {  	s2 =	rddreg [dreg:$0x2]  }
0x4: {  	s0 =	rddreg [dreg:$0x3];
	s3 =	simm.s32 $0x0;
	s1 =	stileid.u32  }
0x5: {  	s4 =	srdreg.scid;
	s14 =	simm.s32 $0x2B600;
	s5 =	smul.u32 $0x50000, s1  }
0x6: {  	s18 =	simm.s32 $0x0;
	[smem:$0x7FF] =	sst s3;
	s13 =	smul.u32 $0x2800, s1  }
0x7: {  	s9 =	sand.u32 $0x1, s4;
	s4 =	sadd.s32 $0x2600, s12;
	s16 =	smul.u32 $0x4F0, s1  }
0x8: {  	s31 =	sshll.u32 s1, $0x6;
	_ =	strace $0x80000047;
	s6 =	ssub.s32 $0x2, s9  }
0x9: {  	p0 =	seq.s32 s9, $0x1;
	s15 =	smul.u32 $0x4F00, s9;
	s7 =	sshrl.u32 s6, $0x1  }
0xa: {  	s8 =	sshrl.u32 s5, $0x2;
	s5 =	sadd.s32 $0x2E00, s12;
	s14 =	simm.s32 @!p0 $0x3600  }
0xb: {  	s7 =	ssub.s32 s6, s7;
	s6 =	sadd.s32 s8, s2;
	s12 =	sadd.s32 s14, s12  }
0xc: {  	s30 =	sadd.s32 s15, s11;
	s14 =	simm.s32 $0x80;
	s15 =	simm.s32 $0x1  }
0xd: {  	s7 =	smax.u32 s7, $0x1;
	s8 =	sadd.s32 $0x4000, s6;
	s9 =	sadd.s32 $0x8000, s6  }
0xe: {  	s10 =	sadd.s32 $0xC000, s6;
	s11 =	sadd.s32 $0x10000, s6;
	s12 =	sadd.s32 s12, s13  }
0xf: {  	s13 =	sadd.s32 s16, s30;
	s16 =	sor.u32 $0x1C01, s31;
	s17 =	sshrl.u32 s6, $0x3  }
.LBB2_1:
0x10: {  	[tilespmem:s14], [sflag:$0x1] =	stream.linear.gather [hbm4b:s4+s3], $0x4000, $0x38;
	[tilespmem:$0x18080] =	vst v63  }
0x11: {  	_ =	swait.ge [sflag:s15], $0x4000  }
0x12: {  	[sflag:s15] =	ssyncset.done $0x0  }
0x13: {  	[sflag:s15] =	ssyncadd.s32 $0xFFFFC000  }
0x14: {  	[spmem:s6] =	stream.linear.scatter [tilespmem:s14], [sflag:$0x1], $0x4000, $0x38;
	[tilespmem:$0x18080] =	vst v63  }
0x15: {  	_ =	swait.ge [sflag:s15], $0x4000  }
0x16: {  	[sflag:s15] =	ssyncset.done $0x0  }
0x17: {  	[sflag:s15] =	ssyncadd.s32 $0xFFFFC000  }
0x18: {  	[spmem:s8] =	stream.linear.scatter [tilespmem:s14], [sflag:$0x1], $0x4000, $0x38;
	[tilespmem:$0x18080] =	vst v63  }
0x19: {  	_ =	swait.ge [sflag:s15], $0x4000  }
0x1a: {  	[sflag:s15] =	ssyncset.done $0x0  }
0x1b: {  	[sflag:s15] =	ssyncadd.s32 $0xFFFFC000  }
0x1c: {  	[spmem:s9] =	stream.linear.scatter [tilespmem:s14], [sflag:$0x1], $0x4000, $0x38;
	[tilespmem:$0x18080] =	vst v63  }
0x1d: {  	_ =	swait.ge [sflag:s15], $0x4000  }
0x1e: {  	[sflag:s15] =	ssyncset.done $0x0  }
0x1f: {  	[sflag:s15] =	ssyncadd.s32 $0xFFFFC000  }
0x20: {  	[spmem:s10] =	stream.linear.scatter [tilespmem:s14], [sflag:$0x1], $0x4000, $0x38;
	[tilespmem:$0x18080] =	vst v63  }
0x21: {  	_ =	swait.ge [sflag:s15], $0x4000  }
0x22: {  	[sflag:s15] =	ssyncset.done $0x0  }
0x23: {  	[sflag:s15] =	ssyncadd.s32 $0xFFFFC000  }
0x24: {  	[spmem:s11] =	stream.linear.scatter [tilespmem:s14], [sflag:$0x1], $0x4000, $0x38;
	[tilespmem:$0x18080] =	vst v63  }
0x25: {  	_ =	swait.ge [sflag:s15], $0x4000  }
0x26: {  	[sflag:s15] =	ssyncset.done $0x0  }
0x27: {  	[sflag:s15] =	ssyncadd.s32 $0xFFFFC000  }
0x28: {  	[bflag:$0x0] =	sbarrier.arrive $0xFFFF  }
0x29: {  	[tilespmem:s14], [sflag:$0x1] =	stream.linear.gather [hbm4b:s5+s3], $0x4000, $0x38;
	[tilespmem:$0x18080] =	vst v63  }
0x2a: {  	_ =	swait.ge [sflag:s15], $0x4000  }
0x2b: {  	[sflag:s15] =	ssyncset.done $0x0  }
0x2c: {  	s19 =	sadd.s32 $0x0, s13;
	[sflag:s15] =	ssyncadd.s32 $0xFFFFC000  }
0x2d: {  	[tilespmem:s3], [sflag:$0x1] =	stream.linear.gather [hbm4b:s19+s3], $0x80, $0x38;
	[tilespmem:$0x18080] =	vst v63  }
0x2e: {  	_ =	swait.ge [sflag:s15], $0x80  }
0x2f: {  	[sflag:s15] =	ssyncset.done $0x0  }
0x30: {  	[sflag:s15] =	ssyncadd.s32 $0xFFFFFF80  }
0x31: {  	[spmem:s2] =	stream.indirect.scatter.add.f32 [tilespmem:s14], [sflag:$0x1], $0x80, s3, s14, $0xb8;
	[tilespmem:$0x18080] =	vst v63  }
0x32: {  	_ =	swait.ge [sflag:s15], $0x4000  }
0x33: {  	s20 =	simm.s32 $0x20;
	s19 =	simm.s32 $0x10;
	[sflag:s15] =	ssyncset.done $0x0  }
.LBB2_2:
0x34: {  	s21 =	sadd.s32 s19, s13  }
0x35: {  	[sflag:s15] =	ssyncadd.s32 $0xFFFFC000;
	s19 =	smov.u32 s20;
	s22 =	sadd.s32 $0x10, s20  }
0x36: {  	[tilespmem:s3], [sflag:$0x1] =	stream.linear.gather [hbm4b:s21+s3], $0x80, $0x38;
	[tilespmem:$0x18080] =	vst v63  }
0x37: {  	p0 =	sne.s32 s20, $0x4E0;
	_ =	swait.ge [sflag:s15], $0x80  }
.Ltmp0:
0x38: {  	[sflag:s15] =	ssyncset.done $0x0;
	(pc) =	sbr.rel @p0 .LBB2_2-.Ltmp0, $4  }
0x39: {  	[sflag:s15] =	ssyncadd.s32 $0xFFFFFF80  }
0x3a: {  	[spmem:s2] =	stream.indirect.scatter.add.f32 [tilespmem:s14], [sflag:$0x1], $0x80, s3, s14, $0xb8;
	[tilespmem:$0x18080] =	vst v63  }
0x3b: {  	_ =	swait.ge [sflag:s15], $0x4000  }
0x3c: {  	s20 =	smov.u32 s22;
	[sflag:s15] =	ssyncset.done $0x0  }
0x3d: {  	s19 =	sadd.s32 s19, s13;
	[sflag:s15] =	ssyncadd.s32 $0xFFFFC000  }
0x3e: {  	[tilespmem:s3], [sflag:$0x1] =	stream.linear.gather [hbm4b:s19+s3], $0x80, $0x38;
	[tilespmem:$0x18080] =	vst v63  }
0x3f: {  	_ =	swait.ge [sflag:s15], $0x80  }
0x40: {  	[sflag:s15] =	ssyncset.done $0x0  }
0x41: {  	[sflag:s15] =	ssyncadd.s32 $0xFFFFFF80  }
0x42: {  	[spmem:s2] =	stream.indirect.scatter.add.f32 [tilespmem:s14], [sflag:$0x1], $0x80, s3, s14, $0xb8;
	[tilespmem:$0x18080] =	vst v63  }
0x43: {  	_ =	swait.ge [sflag:s15], $0x4000  }
0x44: {  	s18 =	sadd.s32 $0x1, s18;
	[sflag:s15] =	ssyncset.done $0x0  }
0x45: {  	p0 =	sne.s32 s18, s7;
	[sflag:s15] =	ssyncadd.s32 $0xFFFFC000  }
.Ltmp1:
0x46: {  	[bflag:$0x0] =	sbarrier.arrive $0xFFFF;
	(pc) =	sbr.rel @p0 .LBB2_1-.Ltmp1, $4  }
0x47: {  	[hbm:s12], [sflag:s16] =	dma.local [spmem:s17], $0x2800  }
0x48: {  	_ =	swait.ge [sflag:s15], $0x2800  }
0x49: {  	[sflag:s15] =	ssyncset.done $0x0  }
0x4a: {  	[sflag:s15] =	ssyncadd.s32 $0xFFFFD800  }
0x4b: {  	_ =	sfence.sel $0x180000  }
0x4c: {  	[bflag:$0x0] =	sbarrier.arrive $0xFFFF  }
0x4d: {  	p0 =	sne.s32 s1, $0x0;
	_ =	strace $0x90000047  }
0x4e: {  	s0 =	sadd.s32 @!p0 $0x100000, s0;
	[bflag:$0x2] =	sbarrier.arrive $0xFFFF  }
0x4f: {  	[sflag:s0] =	ssyncadd.tile.s32 @!p0 $0x1;
	_ =	shalt  }
.Lfunc_end2:
_tile_overlayer_lowered:
.L_overlay_start_2:
0x50: {  	(tag) =	ssettag $0x2  }
0x51: {  	s0 =	rddreg [dreg:$0x0];
	s2 =	stileid.u32  }
0x52: {  	s1 =	rddreg [dreg:$0x1];
	p0 =	sne.s32 s2, $0x0  }
0x53: {  	s3 =	rddreg [dreg:$0x2];
	[bflag:$0x3] =	sbarrier.arrive $0xFFFF;
	s2 =	simm.s32 @!p0 $0x1C01  }
0x54: {  	[timem:s3], [sflag:s2] =	dma.local @!p0 [hbm:s0], s1  }
0x55: {  	s0 =	simm.s32 @!p0 $0x1  }
0x56: {  	_ =	swait.ge @!p0 [sflag:s0], s1  }
0x57: {  	s1 =	ssub.s32 @!p0 $0x0, s1;
	[sflag:s0] =	ssyncset.done @!p0 $0x0  }
0x58: {  	[sflag:s0] =	ssyncadd.s32 @!p0 s1  }
0x59: {  	[bflag:$0x3] =	sbarrier.arrive $0xFFFF  }
0x5a: {  	_ =	shalt  }

</sc_bundles>
